<compile_context>
chip_gen: v7x
topology: tpu7x:2x2x1
jax: 0.10.2.dev20260603
libtpu: 0.0.44.dev20260713+nightly
codegen_flags: <defaults>
</compile_context>

<pallas_src>
import functools

import jax
import jax.numpy as jnp
from jax import lax
from jax.experimental import pallas as pl
from jax.experimental.pallas import tpu as pltpu
from jax.experimental.pallas import tpu_sc as plsc

N = 10000
E = 320000
D = 128

NC = 2
NS = 16

CHUNK = 128
NCHUNK = 80
EPT = CHUNK * NCHUNK
EPC = EPT * NS
E_PAD = EPC * NC

N_PAD = 10240
RPT = N_PAD // NS


def _final_body(p_ref, w_ref, b_ref, o_ref):
    acc = p_ref[0] + p_ref[1]
    o_ref[...] = jnp.dot(acc, w_ref[...],
                         preferred_element_type=jnp.float32) + b_ref[...]


def _final(partials, w, b):
    return pl.pallas_call(
        _final_body,
        grid=(10,),
        in_specs=[
            pl.BlockSpec((NC, 1000, D), lambda i: (0, i, 0)),
            pl.BlockSpec((D, D), lambda i: (0, 0)),
            pl.BlockSpec((1, D), lambda i: (0, 0)),
        ],
        out_specs=pl.BlockSpec((1000, D), lambda i: (i, 0)),
        out_shape=jax.ShapeDtypeStruct((N, D), jnp.float32),
    )(partials, w, b.reshape(1, D))


NBUF = 2
SB = 4
NGROUP = NCHUNK // SB


def _sc_edge_body(h_hbm, sd_hbm, zeros_hbm, out_hbm,
                  idx, rows, acc_sh, zsem, *sems):
    c = lax.axis_index("c")
    s = lax.axis_index("s")

    zcopy = pltpu.async_copy(zeros_hbm, acc_sh.at[pl.ds(s * RPT, RPT)], zsem)

    pltpu.sync_copy(sd_hbm.at[c, s, 0], idx.at[0])
    for r in range(NBUF):
        pltpu.async_copy(h_hbm.at[idx.at[0, r, 0]], rows.at[r], sems[r])
    pltpu.sync_copy(sd_hbm.at[c, s, 1], idx.at[1])

    zcopy.wait()
    plsc.subcore_barrier()

    def group(B, _):
        b = lax.rem(B, 2)
        nb = lax.rem(B + 1, 2)
        for j in range(SB):
            k = B * SB + j
            r = j % NBUF
            pltpu.make_async_copy(
                h_hbm.at[idx.at[b, j, 0]], rows.at[r], sems[r]).wait()
            pltpu.sync_copy(rows.at[r], acc_sh.at[idx.at[b, j, 1]], add=True)

            gb, gj = (b, j + NBUF) if j + NBUF < SB else (nb, j + NBUF - SB)

            @pl.when(k + NBUF < NCHUNK)
            def _():
                pltpu.async_copy(h_hbm.at[idx.at[gb, gj, 0]],
                                 rows.at[r], sems[r])

        @pl.when(B + 2 < NGROUP)
        def _():
            pltpu.sync_copy(sd_hbm.at[c, s, B + 2], idx.at[b])
        return ()

    lax.fori_loop(0, NGROUP, group, ())
    plsc.subcore_barrier()

    pltpu.sync_copy(acc_sh.at[pl.ds(s * RPT, RPT)],
                    out_hbm.at[c, pl.ds(s * RPT, RPT)])


_sc_edge_kernel = functools.partial(
    pl.kernel,
    out_type=jax.ShapeDtypeStruct((NC, N_PAD, D), jnp.float32),
    mesh=plsc.VectorSubcoreMesh(core_axis_name="c", subcore_axis_name="s"),
    scratch_types=[
        pltpu.VMEM((2, SB, 2, CHUNK), jnp.int32),
        pltpu.VMEM((NBUF, CHUNK, D), jnp.float32),
        pltpu.VMEM_SHARED((N_PAD, D), jnp.float32),
    ] + [pltpu.SemaphoreType.DMA] * (NBUF + 1),
)(_sc_edge_body)


def kernel(input, edge_index, W_l, b_l):
    src = edge_index[0]
    dst = edge_index[1]
    pad = E_PAD - E
    pad_i = jnp.arange(pad, dtype=jnp.int32)
    src_p = jnp.concatenate(
        [src, pad_i % N]).reshape(NC, NS, NGROUP, SB, CHUNK)
    dst_p = jnp.concatenate(
        [dst, N + pad_i % (N_PAD - N)]).reshape(NC, NS, NGROUP, SB, CHUNK)
    sd = jnp.stack([src_p, dst_p], axis=4)

    zeros = jnp.zeros((RPT, D), jnp.float32)
    partials = _sc_edge_kernel(input, sd, zeros)

    return _final(partials, W_l, b_l)

# --- scband reference (transcript-rebuilt; emitter-appended) ---
"""Pipeline reference for scband-sage-convolution-68659347194330 (READ-ONLY COPY).

The authoritative reference and input builder live on the scoring server;
editing this copy changes nothing except your own understanding.
"""

import jax, jax.numpy as jnp
import numpy as np

N = 10000
E = 320000
D_IN = 128
D_OUT = 128


def setup_inputs(seed: int = 0) -> dict:
    key = jax.random.key(seed)
    k1, k2, k3, k4 = jax.random.split(key, 4)
    x = jax.random.normal(k1, (N, D_IN), dtype=jnp.float32)
    edge_index = jax.random.randint(k2, (2, E), 0, N, dtype=jnp.int32)
    stdv = 1.0 / np.sqrt(D_OUT)
    W_l = jax.random.uniform(k3, (D_IN, D_OUT), minval=-stdv, maxval=stdv, dtype=jnp.float32)
    b_l = jax.random.uniform(k4, (D_OUT,), minval=-stdv, maxval=stdv, dtype=jnp.float32)
    return {"input": x, "edge_index": edge_index, "W_l": W_l, "b_l": b_l}


def reference(input, edge_index, W_l, b_l):
    # SageConvolution forward (root_weight=False):
    #   output = spmm(adj, input @ W_l) + b_l
    # adj is the sparse adjacency (values=1) given by edge_index:
    #   adj[dst, src] = 1, so spmm(adj, h)[i] = sum over edges (src->dst=i) of h[src]
    h = jnp.matmul(input, W_l)                      # [N, D_OUT] dense transform
    src = edge_index[0]
    dst = edge_index[1]
    msgs = jnp.take(h, src, axis=0)                 # gather: [E, D_OUT]
    agg = jax.ops.segment_sum(msgs, dst, num_segments=N)  # scatter-add spmm
    output = agg + b_l
    return output

if __name__ == "__main__":
    import jax
    _d = setup_inputs()
    print(jax.jit(kernel)(*tuple(_d.values())))

</pallas_src>

<mosaic_0001>
#map = affine_map<(d0, d1) -> (0, 0)>
#map1 = affine_map<(d0, d1) -> (0, 0, 0, 0, 0, 0)>
#map2 = affine_map<(d0, d1) -> (0, 0, 0)>
module attributes {stable_mosaic.version = 14 : i64} {
  func.func @_sc_edge_body(%arg0: i32, %arg1: i32, %arg2: memref<10000x128xf32, #tpu.memory_space<hbm>>, %arg3: memref<2x16x20x4x2x128xi32, #tpu.memory_space<hbm>>, %arg4: memref<640x128xf32, #tpu.memory_space<hbm>>, %arg5: memref<2x10240x128xf32, #tpu.memory_space<hbm>>, %arg6: memref<2x4x2x128xi32, #tpu.memory_space<vmem>>, %arg7: memref<2x128x128xf32, #tpu.memory_space<vmem>>, %arg8: memref<10240x128xf32, #tpu.memory_space<vmem_shared>>, %arg9: memref<!tpu.dma_semaphore, #tpu.memory_space<semaphore_mem>>, %arg10: memref<!tpu.dma_semaphore, #tpu.memory_space<semaphore_mem>>, %arg11: memref<!tpu.dma_semaphore, #tpu.memory_space<semaphore_mem>>) attributes {dimension_semantics = [#tpu.dimension_semantics<core_parallel>, #tpu.dimension_semantics<subcore_parallel>], iteration_bounds = array<i64: 2, 16>, scalar_prefetch = 0 : i64, scratch_operands = 6 : i64, tpu.core_type = #tpu.core_type<sc_vector_subcore>, window_params = [{transform_indices = #map}, {transform_indices = #map1}, {transform_indices = #map}, {transform_indices = #map2}]} {
    %mul3A = arith.constant 640 : i32
    %mul3A_0 = arith.muli %arg1, %mul3A : i32
    %dma_start3A = arith.constant 0 : i32
    %dma_start3A_1 = tpu.memref_slice %arg8[%mul3A_0, %dma_start3A] : memref<10240x128xf32, #tpu.memory_space<vmem_shared>> -> memref<640x128xf32, #tpu.memory_space<vmem_shared>>
    tpu.enqueue_dma source(%arg4 : memref<640x128xf32, #tpu.memory_space<hbm>>) target(%dma_start3A_1 : memref<640x128xf32, #tpu.memory_space<vmem_shared>>) target_semaphore(%arg9 : memref<!tpu.dma_semaphore, #tpu.memory_space<semaphore_mem>>)
    %run_scoped3A = arith.constant 0 : i32
    %run_scoped3A_2 = arith.constant 0 : i32
    "tpu.region"() ({
      %run_scoped3A_43 = tpu.sem_alloc : memref<!tpu.dma_semaphore, #tpu.memory_space<semaphore_mem>>
      %dma_start3A_44 = arith.constant 0 : i32
      %dma_start3A_45 = arith.constant 0 : i32
      %dma_start3A_46 = arith.constant 0 : i32
      %dma_start3A_47 = tpu.memref_slice %arg6[%run_scoped3A_2, %dma_start3A_44, %dma_start3A_45, %dma_start3A_46] : memref<2x4x2x128xi32, #tpu.memory_space<vmem>> -> memref<1x4x2x128xi32, #tpu.memory_space<vmem>>
      %dma_start3A_48 = tpu.memref_squeeze %dma_start3A_47 : memref<1x4x2x128xi32, #tpu.memory_space<vmem>> -> memref<4x2x128xi32, #tpu.memory_space<vmem>>
      %dma_start3A_49 = arith.constant 0 : i32
      %dma_start3A_50 = arith.constant 0 : i32
      %dma_start3A_51 = arith.constant 0 : i32
      %dma_start3A_52 = tpu.memref_slice %arg3[%arg0, %arg1, %run_scoped3A, %dma_start3A_49, %dma_start3A_50, %dma_start3A_51] : memref<2x16x20x4x2x128xi32, #tpu.memory_space<hbm>> -> memref<1x1x1x4x2x128xi32, #tpu.memory_space<hbm>>
      %dma_start3A_53 = tpu.memref_squeeze %dma_start3A_52 : memref<1x1x1x4x2x128xi32, #tpu.memory_space<hbm>> -> memref<4x2x128xi32, #tpu.memory_space<hbm>>
      %dma_start3A_54 = arith.constant 0 : i32
      %dma_start3A_55 = arith.constant 0 : i32
      %dma_start3A_56 = arith.constant 0 : i32
      %dma_start3A_57 = tpu.memref_slice %arg6[%run_scoped3A_2, %dma_start3A_54, %dma_start3A_55, %dma_start3A_56] : memref<2x4x2x128xi32, #tpu.memory_space<vmem>> -> memref<1x4x2x128xi32, #tpu.memory_space<vmem>>
      %dma_start3A_58 = tpu.memref_squeeze %dma_start3A_57 : memref<1x4x2x128xi32, #tpu.memory_space<vmem>> -> memref<4x2x128xi32, #tpu.memory_space<vmem>>
      %dma_start3A_59 = arith.constant 0 : i32
      %dma_start3A_60 = arith.constant 0 : i32
      %dma_start3A_61 = arith.constant 0 : i32
      %dma_start3A_62 = tpu.memref_slice %arg3[%arg0, %arg1, %run_scoped3A, %dma_start3A_59, %dma_start3A_60, %dma_start3A_61] : memref<2x16x20x4x2x128xi32, #tpu.memory_space<hbm>> -> memref<1x1x1x4x2x128xi32, #tpu.memory_space<hbm>>
      %dma_start3A_63 = tpu.memref_squeeze %dma_start3A_62 : memref<1x1x1x4x2x128xi32, #tpu.memory_space<hbm>> -> memref<4x2x128xi32, #tpu.memory_space<hbm>>
      tpu.enqueue_dma source(%dma_start3A_63 : memref<4x2x128xi32, #tpu.memory_space<hbm>>) target(%dma_start3A_58 : memref<4x2x128xi32, #tpu.memory_space<vmem>>) target_semaphore(%run_scoped3A_43 : memref<!tpu.dma_semaphore, #tpu.memory_space<semaphore_mem>>)
      %dma_wait3A_64 = arith.constant 0 : i32
      %dma_wait3A_65 = arith.constant 0 : i32
      %dma_wait3A_66 = arith.constant 0 : i32
      %dma_wait3A_67 = tpu.memref_slice %arg6[%run_scoped3A_2, %dma_wait3A_64, %dma_wait3A_65, %dma_wait3A_66] : memref<2x4x2x128xi32, #tpu.memory_space<vmem>> -> memref<1x4x2x128xi32, #tpu.memory_space<vmem>>
      %dma_wait3A_68 = tpu.memref_squeeze %dma_wait3A_67 : memref<1x4x2x128xi32, #tpu.memory_space<vmem>> -> memref<4x2x128xi32, #tpu.memory_space<vmem>>
      %dma_wait3A_69 = arith.constant 0 : i32
      %dma_wait3A_70 = arith.constant 0 : i32
      %dma_wait3A_71 = arith.constant 0 : i32
      %dma_wait3A_72 = tpu.memref_slice %arg3[%arg0, %arg1, %run_scoped3A, %dma_wait3A_69, %dma_wait3A_70, %dma_wait3A_71] : memref<2x16x20x4x2x128xi32, #tpu.memory_space<hbm>> -> memref<1x1x1x4x2x128xi32, #tpu.memory_space<hbm>>
      %dma_wait3A_73 = tpu.memref_squeeze %dma_wait3A_72 : memref<1x1x1x4x2x128xi32, #tpu.memory_space<hbm>> -> memref<4x2x128xi32, #tpu.memory_space<hbm>>
      %dma_wait3A_74 = arith.constant 0 : i32
      %dma_wait3A_75 = arith.constant 0 : i32
      %dma_wait3A_76 = arith.constant 0 : i32
      %dma_wait3A_77 = tpu.memref_slice %arg6[%run_scoped3A_2, %dma_wait3A_74, %dma_wait3A_75, %dma_wait3A_76] : memref<2x4x2x128xi32, #tpu.memory_space<vmem>> -> memref<1x4x2x128xi32, #tpu.memory_space<vmem>>
      %dma_wait3A_78 = tpu.memref_squeeze %dma_wait3A_77 : memref<1x4x2x128xi32, #tpu.memory_space<vmem>> -> memref<4x2x128xi32, #tpu.memory_space<vmem>>
      %dma_wait3A_79 = arith.constant 0 : i32
      %dma_wait3A_80 = arith.constant 0 : i32
      %dma_wait3A_81 = arith.constant 0 : i32
      %dma_wait3A_82 = tpu.memref_slice %arg3[%arg0, %arg1, %run_scoped3A, %dma_wait3A_79, %dma_wait3A_80, %dma_wait3A_81] : memref<2x16x20x4x2x128xi32, #tpu.memory_space<hbm>> -> memref<1x1x1x4x2x128xi32, #tpu.memory_space<hbm>>
      %dma_wait3A_83 = tpu.memref_squeeze %dma_wait3A_82 : memref<1x1x1x4x2x128xi32, #tpu.memory_space<hbm>> -> memref<4x2x128xi32, #tpu.memory_space<hbm>>
      tpu.wait_dma2 semaphore(%run_scoped3A_43 : memref<!tpu.dma_semaphore, #tpu.memory_space<semaphore_mem>>) src(%dma_wait3A_83 : memref<4x2x128xi32, #tpu.memory_space<hbm>>) dst(%dma_wait3A_78 : memref<4x2x128xi32, #tpu.memory_space<vmem>>)
      tpu.yield
    }) : () -> ()
    %dma_start3A_3 = arith.constant 0 : i32
    %dma_start3A_4 = arith.constant 0 : i32
    %dma_start3A_5 = arith.constant 0 : i32
    %dma_start3A_6 = arith.constant 0 : i32
    %dma_start3A_7 = arith.constant 0 : i32
    %dma_start3A_8 = arith.constant 0 : i32
    %dma_start3A_9 = tpu.memref_slice %arg7[%dma_start3A_6, %dma_start3A_7, %dma_start3A_8] : memref<2x128x128xf32, #tpu.memory_space<vmem>> -> memref<1x128x128xf32, #tpu.memory_space<vmem>>
    %dma_start3A_10 = tpu.memref_squeeze %dma_start3A_9 : memref<1x128x128xf32, #tpu.memory_space<vmem>> -> memref<128x128xf32, #tpu.memory_space<vmem>>
    %dma_start3A_11 = arith.constant 0 : i32
    %dma_start3A_12 = tpu.memref_slice %arg6[%dma_start3A_3, %dma_start3A_4, %dma_start3A_5, %dma_start3A_11] : memref<2x4x2x128xi32, #tpu.memory_space<vmem>> -> memref<1x1x1x128xi32, #tpu.memory_space<vmem>>
    %dma_start3A_13 = tpu.memref_squeeze %dma_start3A_12 : memref<1x1x1x128xi32, #tpu.memory_space<vmem>> -> memref<128xi32, #tpu.memory_space<vmem>>
    %dma_start3A_14 = arith.constant 0 : i32
    %dma_start3A_15 = arith.constant 0 : i32
    %dma_start3A_16 = tpu.memref_slice %arg2[%dma_start3A_14, %dma_start3A_15] : memref<10000x128xf32, #tpu.memory_space<hbm>> -> memref<10000x128xf32, #tpu.memory_space<hbm>>
    tpu.enqueue_indirect_dma source(%dma_start3A_16 : memref<10000x128xf32, #tpu.memory_space<hbm>>) target(%dma_start3A_10 : memref<128x128xf32, #tpu.memory_space<vmem>>) offsets(%dma_start3A_13 : memref<128xi32, #tpu.memory_space<vmem>>) semaphore(%arg10 : memref<!tpu.dma_semaphore, #tpu.memory_space<semaphore_mem>>)
    %dma_start3A_17 = arith.constant 0 : i32
    %dma_start3A_18 = arith.constant 1 : i32
    %dma_start3A_19 = arith.constant 0 : i32
    %dma_start3A_20 = arith.constant 1 : i32
    %dma_start3A_21 = arith.constant 0 : i32
    %dma_start3A_22 = arith.constant 0 : i32
    %dma_start3A_23 = tpu.memref_slice %arg7[%dma_start3A_20, %dma_start3A_21, %dma_start3A_22] : memref<2x128x128xf32, #tpu.memory_space<vmem>> -> memref<1x128x128xf32, #tpu.memory_space<vmem>>
    %dma_start3A_24 = tpu.memref_squeeze %dma_start3A_23 : memref<1x128x128xf32, #tpu.memory_space<vmem>> -> memref<128x128xf32, #tpu.memory_space<vmem>>
    %dma_start3A_25 = arith.constant 0 : i32
    %dma_start3A_26 = tpu.memref_slice %arg6[%dma_start3A_17, %dma_start3A_18, %dma_start3A_19, %dma_start3A_25] : memref<2x4x2x128xi32, #tpu.memory_space<vmem>> -> memref<1x1x1x128xi32, #tpu.memory_space<vmem>>
    %dma_start3A_27 = tpu.memref_squeeze %dma_start3A_26 : memref<1x1x1x128xi32, #tpu.memory_space<vmem>> -> memref<128xi32, #tpu.memory_space<vmem>>
    %dma_start3A_28 = arith.constant 0 : i32
    %dma_start3A_29 = arith.constant 0 : i32
    %dma_start3A_30 = tpu.memref_slice %arg2[%dma_start3A_28, %dma_start3A_29] : memref<10000x128xf32, #tpu.memory_space<hbm>> -> memref<10000x128xf32, #tpu.memory_space<hbm>>
    tpu.enqueue_indirect_dma source(%dma_start3A_30 : memref<10000x128xf32, #tpu.memory_space<hbm>>) target(%dma_start3A_24 : memref<128x128xf32, #tpu.memory_space<vmem>>) offsets(%dma_start3A_27 : memref<128xi32, #tpu.memory_space<vmem>>) semaphore(%arg11 : memref<!tpu.dma_semaphore, #tpu.memory_space<semaphore_mem>>)
    %run_scoped3A_31 = arith.constant 1 : i32
    %run_scoped3A_32 = arith.constant 1 : i32
    "tpu.region"() ({
      %run_scoped3A_43 = tpu.sem_alloc : memref<!tpu.dma_semaphore, #tpu.memory_space<semaphore_mem>>
      %dma_start3A_44 = arith.constant 0 : i32
      %dma_start3A_45 = arith.constant 0 : i32
      %dma_start3A_46 = arith.constant 0 : i32
      %dma_start3A_47 = tpu.memref_slice %arg6[%run_scoped3A_32, %dma_start3A_44, %dma_start3A_45, %dma_start3A_46] : memref<2x4x2x128xi32, #tpu.memory_space<vmem>> -> memref<1x4x2x128xi32, #tpu.memory_space<vmem>>
      %dma_start3A_48 = tpu.memref_squeeze %dma_start3A_47 : memref<1x4x2x128xi32, #tpu.memory_space<vmem>> -> memref<4x2x128xi32, #tpu.memory_space<vmem>>
      %dma_start3A_49 = arith.constant 0 : i32
      %dma_start3A_50 = arith.constant 0 : i32
      %dma_start3A_51 = arith.constant 0 : i32
      %dma_start3A_52 = tpu.memref_slice %arg3[%arg0, %arg1, %run_scoped3A_31, %dma_start3A_49, %dma_start3A_50, %dma_start3A_51] : memref<2x16x20x4x2x128xi32, #tpu.memory_space<hbm>> -> memref<1x1x1x4x2x128xi32, #tpu.memory_space<hbm>>
      %dma_start3A_53 = tpu.memref_squeeze %dma_start3A_52 : memref<1x1x1x4x2x128xi32, #tpu.memory_space<hbm>> -> memref<4x2x128xi32, #tpu.memory_space<hbm>>
      %dma_start3A_54 = arith.constant 0 : i32
      %dma_start3A_55 = arith.constant 0 : i32
      %dma_start3A_56 = arith.constant 0 : i32
      %dma_start3A_57 = tpu.memref_slice %arg6[%run_scoped3A_32, %dma_start3A_54, %dma_start3A_55, %dma_start3A_56] : memref<2x4x2x128xi32, #tpu.memory_space<vmem>> -> memref<1x4x2x128xi32, #tpu.memory_space<vmem>>
      %dma_start3A_58 = tpu.memref_squeeze %dma_start3A_57 : memref<1x4x2x128xi32, #tpu.memory_space<vmem>> -> memref<4x2x128xi32, #tpu.memory_space<vmem>>
      %dma_start3A_59 = arith.constant 0 : i32
      %dma_start3A_60 = arith.constant 0 : i32
      %dma_start3A_61 = arith.constant 0 : i32
      %dma_start3A_62 = tpu.memref_slice %arg3[%arg0, %arg1, %run_scoped3A_31, %dma_start3A_59, %dma_start3A_60, %dma_start3A_61] : memref<2x16x20x4x2x128xi32, #tpu.memory_space<hbm>> -> memref<1x1x1x4x2x128xi32, #tpu.memory_space<hbm>>
      %dma_start3A_63 = tpu.memref_squeeze %dma_start3A_62 : memref<1x1x1x4x2x128xi32, #tpu.memory_space<hbm>> -> memref<4x2x128xi32, #tpu.memory_space<hbm>>
      tpu.enqueue_dma source(%dma_start3A_63 : memref<4x2x128xi32, #tpu.memory_space<hbm>>) target(%dma_start3A_58 : memref<4x2x128xi32, #tpu.memory_space<vmem>>) target_semaphore(%run_scoped3A_43 : memref<!tpu.dma_semaphore, #tpu.memory_space<semaphore_mem>>)
      %dma_wait3A_64 = arith.constant 0 : i32
      %dma_wait3A_65 = arith.constant 0 : i32
      %dma_wait3A_66 = arith.constant 0 : i32
      %dma_wait3A_67 = tpu.memref_slice %arg6[%run_scoped3A_32, %dma_wait3A_64, %dma_wait3A_65, %dma_wait3A_66] : memref<2x4x2x128xi32, #tpu.memory_space<vmem>> -> memref<1x4x2x128xi32, #tpu.memory_space<vmem>>
      %dma_wait3A_68 = tpu.memref_squeeze %dma_wait3A_67 : memref<1x4x2x128xi32, #tpu.memory_space<vmem>> -> memref<4x2x128xi32, #tpu.memory_space<vmem>>
      %dma_wait3A_69 = arith.constant 0 : i32
      %dma_wait3A_70 = arith.constant 0 : i32
      %dma_wait3A_71 = arith.constant 0 : i32
      %dma_wait3A_72 = tpu.memref_slice %arg3[%arg0, %arg1, %run_scoped3A_31, %dma_wait3A_69, %dma_wait3A_70, %dma_wait3A_71] : memref<2x16x20x4x2x128xi32, #tpu.memory_space<hbm>> -> memref<1x1x1x4x2x128xi32, #tpu.memory_space<hbm>>
      %dma_wait3A_73 = tpu.memref_squeeze %dma_wait3A_72 : memref<1x1x1x4x2x128xi32, #tpu.memory_space<hbm>> -> memref<4x2x128xi32, #tpu.memory_space<hbm>>
      %dma_wait3A_74 = arith.constant 0 : i32
      %dma_wait3A_75 = arith.constant 0 : i32
      %dma_wait3A_76 = arith.constant 0 : i32
      %dma_wait3A_77 = tpu.memref_slice %arg6[%run_scoped3A_32, %dma_wait3A_74, %dma_wait3A_75, %dma_wait3A_76] : memref<2x4x2x128xi32, #tpu.memory_space<vmem>> -> memref<1x4x2x128xi32, #tpu.memory_space<vmem>>
      %dma_wait3A_78 = tpu.memref_squeeze %dma_wait3A_77 : memref<1x4x2x128xi32, #tpu.memory_space<vmem>> -> memref<4x2x128xi32, #tpu.memory_space<vmem>>
      %dma_wait3A_79 = arith.constant 0 : i32
      %dma_wait3A_80 = arith.constant 0 : i32
      %dma_wait3A_81 = arith.constant 0 : i32
      %dma_wait3A_82 = tpu.memref_slice %arg3[%arg0, %arg1, %run_scoped3A_31, %dma_wait3A_79, %dma_wait3A_80, %dma_wait3A_81] : memref<2x16x20x4x2x128xi32, #tpu.memory_space<hbm>> -> memref<1x1x1x4x2x128xi32, #tpu.memory_space<hbm>>
      %dma_wait3A_83 = tpu.memref_squeeze %dma_wait3A_82 : memref<1x1x1x4x2x128xi32, #tpu.memory_space<hbm>> -> memref<4x2x128xi32, #tpu.memory_space<hbm>>
      tpu.wait_dma2 semaphore(%run_scoped3A_43 : memref<!tpu.dma_semaphore, #tpu.memory_space<semaphore_mem>>) src(%dma_wait3A_83 : memref<4x2x128xi32, #tpu.memory_space<hbm>>) dst(%dma_wait3A_78 : memref<4x2x128xi32, #tpu.memory_space<vmem>>)
      tpu.yield
    }) : () -> ()
    %dma_wait3A = arith.constant 0 : i32
    %dma_wait3A_33 = tpu.memref_slice %arg8[%mul3A_0, %dma_wait3A] : memref<10240x128xf32, #tpu.memory_space<vmem_shared>> -> memref<640x128xf32, #tpu.memory_space<vmem_shared>>
    tpu.wait_dma2 semaphore(%arg9 : memref<!tpu.dma_semaphore, #tpu.memory_space<semaphore_mem>>) src(%arg4 : memref<640x128xf32, #tpu.memory_space<hbm>>) dst(%dma_wait3A_33 : memref<640x128xf32, #tpu.memory_space<vmem_shared>>)
    %barrier3A = arith.constant 0 : index
    tpu.barrier barrier_id(%barrier3A)
    %scan3A = arith.constant 0 : i32
    %scan3A_34 = arith.constant 20 : i32
    %scan3A_35 = arith.addi %scan3A, %scan3A_34 : i32
    %scan3A_36 = arith.constant 1 : i32
    scf.for %scan3A_43 = %scan3A to %scan3A_35 step %scan3A_36  : i32 {
      %rem3A = arith.constant 2 : i32
      %rem3A_44 = arith.remsi %scan3A_43, %rem3A : i32
      %add3A = arith.constant 1 : i32
      %add3A_45 = arith.addi %scan3A_43, %add3A : i32
      %rem3A_46 = arith.constant 2 : i32
      %rem3A_47 = arith.remsi %add3A_45, %rem3A_46 : i32
      %mul3A_48 = arith.constant 4 : i32
      %mul3A_49 = arith.muli %scan3A_43, %mul3A_48 : i32
      %add3A_50 = arith.constant 0 : i32
      %add3A_51 = arith.addi %mul3A_49, %add3A_50 : i32
      %dma_wait3A_52 = arith.constant 0 : i32
      %dma_wait3A_53 = arith.constant 0 : i32
      %dma_wait3A_54 = arith.constant 0 : i32
      %dma_wait3A_55 = arith.constant 0 : i32
      %dma_wait3A_56 = arith.constant 0 : i32
      %dma_wait3A_57 = tpu.memref_slice %arg7[%dma_wait3A_54, %dma_wait3A_55, %dma_wait3A_56] : memref<2x128x128xf32, #tpu.memory_space<vmem>> -> memref<1x128x128xf32, #tpu.memory_space<vmem>>
      %dma_wait3A_58 = tpu.memref_squeeze %dma_wait3A_57 : memref<1x128x128xf32, #tpu.memory_space<vmem>> -> memref<128x128xf32, #tpu.memory_space<vmem>>
      %dma_wait3A_59 = arith.constant 0 : i32
      %dma_wait3A_60 = tpu.memref_slice %arg6[%rem3A_44, %dma_wait3A_52, %dma_wait3A_53, %dma_wait3A_59] : memref<2x4x2x128xi32, #tpu.memory_space<vmem>> -> memref<1x1x1x128xi32, #tpu.memory_space<vmem>>
      %dma_wait3A_61 = tpu.memref_squeeze %dma_wait3A_60 : memref<1x1x1x128xi32, #tpu.memory_space<vmem>> -> memref<128xi32, #tpu.memory_space<vmem>>
      %dma_wait3A_62 = arith.constant 0 : i32
      %dma_wait3A_63 = arith.constant 0 : i32
      %dma_wait3A_64 = tpu.memref_slice %arg2[%dma_wait3A_62, %dma_wait3A_63] : memref<10000x128xf32, #tpu.memory_space<hbm>> -> memref<10000x128xf32, #tpu.memory_space<hbm>>
      tpu.wait_indirect_dma semaphore(%arg10 : memref<!tpu.dma_semaphore, #tpu.memory_space<semaphore_mem>>) src(%dma_wait3A_64 : memref<10000x128xf32, #tpu.memory_space<hbm>>) dst(%dma_wait3A_58 : memref<128x128xf32, #tpu.memory_space<vmem>>)
      %run_scoped3A_65 = arith.constant 0 : i32
      %run_scoped3A_66 = arith.constant 0 : i32
      %run_scoped3A_67 = arith.constant 1 : i32
      "tpu.region"() ({
        %run_scoped3A_160 = tpu.sem_alloc : memref<!tpu.dma_semaphore, #tpu.memory_space<semaphore_mem>>
        %dma_start3A_161 = arith.constant 0 : i32
        %dma_start3A_162 = arith.constant 0 : i32
        %dma_start3A_163 = tpu.memref_slice %arg7[%run_scoped3A_65, %dma_start3A_161, %dma_start3A_162] : memref<2x128x128xf32, #tpu.memory_space<vmem>> -> memref<1x128x128xf32, #tpu.memory_space<vmem>>
        %dma_start3A_164 = tpu.memref_squeeze %dma_start3A_163 : memref<1x128x128xf32, #tpu.memory_space<vmem>> -> memref<128x128xf32, #tpu.memory_space<vmem>>
        %dma_start3A_165 = arith.constant 0 : i32
        %dma_start3A_166 = tpu.memref_slice %arg6[%rem3A_44, %run_scoped3A_66, %run_scoped3A_67, %dma_start3A_165] : memref<2x4x2x128xi32, #tpu.memory_space<vmem>> -> memref<1x1x1x128xi32, #tpu.memory_space<vmem>>
        %dma_start3A_167 = tpu.memref_squeeze %dma_start3A_166 : memref<1x1x1x128xi32, #tpu.memory_space<vmem>> -> memref<128xi32, #tpu.memory_space<vmem>>
        %dma_start3A_168 = arith.constant 0 : i32
        %dma_start3A_169 = arith.constant 0 : i32
        %dma_start3A_170 = tpu.memref_slice %arg8[%dma_start3A_168, %dma_start3A_169] : memref<10240x128xf32, #tpu.memory_space<vmem_shared>> -> memref<10240x128xf32, #tpu.memory_space<vmem_shared>>
        tpu.enqueue_indirect_dma source(%dma_start3A_164 : memref<128x128xf32, #tpu.memory_space<vmem>>) target(%dma_start3A_170 : memref<10240x128xf32, #tpu.memory_space<vmem_shared>>) offsets(%dma_start3A_167 : memref<128xi32, #tpu.memory_space<vmem>>) semaphore(%run_scoped3A_160 : memref<!tpu.dma_semaphore, #tpu.memory_space<semaphore_mem>>) {add = true}
        %dma_wait3A_171 = arith.constant 0 : i32
        %dma_wait3A_172 = arith.constant 0 : i32
        %dma_wait3A_173 = tpu.memref_slice %arg7[%run_scoped3A_65, %dma_wait3A_171, %dma_wait3A_172] : memref<2x128x128xf32, #tpu.memory_space<vmem>> -> memref<1x128x128xf32, #tpu.memory_space<vmem>>
        %dma_wait3A_174 = tpu.memref_squeeze %dma_wait3A_173 : memref<1x128x128xf32, #tpu.memory_space<vmem>> -> memref<128x128xf32, #tpu.memory_space<vmem>>
        %dma_wait3A_175 = arith.constant 0 : i32
        %dma_wait3A_176 = tpu.memref_slice %arg6[%rem3A_44, %run_scoped3A_66, %run_scoped3A_67, %dma_wait3A_175] : memref<2x4x2x128xi32, #tpu.memory_space<vmem>> -> memref<1x1x1x128xi32, #tpu.memory_space<vmem>>
        %dma_wait3A_177 = tpu.memref_squeeze %dma_wait3A_176 : memref<1x1x1x128xi32, #tpu.memory_space<vmem>> -> memref<128xi32, #tpu.memory_space<vmem>>
        %dma_wait3A_178 = arith.constant 0 : i32
        %dma_wait3A_179 = arith.constant 0 : i32
        %dma_wait3A_180 = tpu.memref_slice %arg8[%dma_wait3A_178, %dma_wait3A_179] : memref<10240x128xf32, #tpu.memory_space<vmem_shared>> -> memref<10240x128xf32, #tpu.memory_space<vmem_shared>>
        tpu.wait_indirect_dma semaphore(%run_scoped3A_160 : memref<!tpu.dma_semaphore, #tpu.memory_space<semaphore_mem>>) src(%dma_wait3A_174 : memref<128x128xf32, #tpu.memory_space<vmem>>) dst(%dma_wait3A_180 : memref<10240x128xf32, #tpu.memory_space<vmem_shared>>)
        tpu.yield
      }) : () -> ()
      %add3A_68 = arith.constant 2 : i32
      %add3A_69 = arith.addi %add3A_51, %add3A_68 : i32
      %lt3A = arith.constant 80 : i32
      %lt3A_70 = arith.cmpi slt, %add3A_69, %lt3A : i32
      %convert_element_type3A = arith.extui %lt3A_70 : i1 to i32
      %cond3A = arith.constant 0 : i32
      %cond3A_71 = arith.cmpi ne, %convert_element_type3A, %cond3A : i32
      scf.if %cond3A_71 {
        %dma_start3A_160 = arith.constant 2 : i32
        %dma_start3A_161 = arith.constant 0 : i32
        %dma_start3A_162 = arith.constant 0 : i32
        %dma_start3A_163 = arith.constant 0 : i32
        %dma_start3A_164 = arith.constant 0 : i32
        %dma_start3A_165 = tpu.memref_slice %arg7[%dma_start3A_162, %dma_start3A_163, %dma_start3A_164] : memref<2x128x128xf32, #tpu.memory_space<vmem>> -> memref<1x128x128xf32, #tpu.memory_space<vmem>>
        %dma_start3A_166 = tpu.memref_squeeze %dma_start3A_165 : memref<1x128x128xf32, #tpu.memory_space<vmem>> -> memref<128x128xf32, #tpu.memory_space<vmem>>
        %dma_start3A_167 = arith.constant 0 : i32
        %dma_start3A_168 = tpu.memref_slice %arg6[%rem3A_44, %dma_start3A_160, %dma_start3A_161, %dma_start3A_167] : memref<2x4x2x128xi32, #tpu.memory_space<vmem>> -> memref<1x1x1x128xi32, #tpu.memory_space<vmem>>
        %dma_start3A_169 = tpu.memref_squeeze %dma_start3A_168 : memref<1x1x1x128xi32, #tpu.memory_space<vmem>> -> memref<128xi32, #tpu.memory_space<vmem>>
        %dma_start3A_170 = arith.constant 0 : i32
        %dma_start3A_171 = arith.constant 0 : i32
        %dma_start3A_172 = tpu.memref_slice %arg2[%dma_start3A_170, %dma_start3A_171] : memref<10000x128xf32, #tpu.memory_space<hbm>> -> memref<10000x128xf32, #tpu.memory_space<hbm>>
        tpu.enqueue_indirect_dma source(%dma_start3A_172 : memref<10000x128xf32, #tpu.memory_space<hbm>>) target(%dma_start3A_166 : memref<128x128xf32, #tpu.memory_space<vmem>>) offsets(%dma_start3A_169 : memref<128xi32, #tpu.memory_space<vmem>>) semaphore(%arg10 : memref<!tpu.dma_semaphore, #tpu.memory_space<semaphore_mem>>)
      } else {
      }
      %mul3A_72 = arith.constant 4 : i32
      %mul3A_73 = arith.muli %scan3A_43, %mul3A_72 : i32
      %add3A_74 = arith.constant 1 : i32
      %add3A_75 = arith.addi %mul3A_73, %add3A_74 : i32
      %dma_wait3A_76 = arith.constant 1 : i32
      %dma_wait3A_77 = arith.constant 0 : i32
      %dma_wait3A_78 = arith.constant 1 : i32
      %dma_wait3A_79 = arith.constant 0 : i32
      %dma_wait3A_80 = arith.constant 0 : i32
      %dma_wait3A_81 = tpu.memref_slice %arg7[%dma_wait3A_78, %dma_wait3A_79, %dma_wait3A_80] : memref<2x128x128xf32, #tpu.memory_space<vmem>> -> memref<1x128x128xf32, #tpu.memory_space<vmem>>
      %dma_wait3A_82 = tpu.memref_squeeze %dma_wait3A_81 : memref<1x128x128xf32, #tpu.memory_space<vmem>> -> memref<128x128xf32, #tpu.memory_space<vmem>>
      %dma_wait3A_83 = arith.constant 0 : i32
      %dma_wait3A_84 = tpu.memref_slice %arg6[%rem3A_44, %dma_wait3A_76, %dma_wait3A_77, %dma_wait3A_83] : memref<2x4x2x128xi32, #tpu.memory_space<vmem>> -> memref<1x1x1x128xi32, #tpu.memory_space<vmem>>
      %dma_wait3A_85 = tpu.memref_squeeze %dma_wait3A_84 : memref<1x1x1x128xi32, #tpu.memory_space<vmem>> -> memref<128xi32, #tpu.memory_space<vmem>>
      %dma_wait3A_86 = arith.constant 0 : i32
      %dma_wait3A_87 = arith.constant 0 : i32
      %dma_wait3A_88 = tpu.memref_slice %arg2[%dma_wait3A_86, %dma_wait3A_87] : memref<10000x128xf32, #tpu.memory_space<hbm>> -> memref<10000x128xf32, #tpu.memory_space<hbm>>
      tpu.wait_indirect_dma semaphore(%arg11 : memref<!tpu.dma_semaphore, #tpu.memory_space<semaphore_mem>>) src(%dma_wait3A_88 : memref<10000x128xf32, #tpu.memory_space<hbm>>) dst(%dma_wait3A_82 : memref<128x128xf32, #tpu.memory_space<vmem>>)
      %run_scoped3A_89 = arith.constant 1 : i32
      %run_scoped3A_90 = arith.constant 1 : i32
      %run_scoped3A_91 = arith.constant 1 : i32
      "tpu.region"() ({
        %run_scoped3A_160 = tpu.sem_alloc : memref<!tpu.dma_semaphore, #tpu.memory_space<semaphore_mem>>
        %dma_start3A_161 = arith.constant 0 : i32
        %dma_start3A_162 = arith.constant 0 : i32
        %dma_start3A_163 = tpu.memref_slice %arg7[%run_scoped3A_89, %dma_start3A_161, %dma_start3A_162] : memref<2x128x128xf32, #tpu.memory_space<vmem>> -> memref<1x128x128xf32, #tpu.memory_space<vmem>>
        %dma_start3A_164 = tpu.memref_squeeze %dma_start3A_163 : memref<1x128x128xf32, #tpu.memory_space<vmem>> -> memref<128x128xf32, #tpu.memory_space<vmem>>
        %dma_start3A_165 = arith.constant 0 : i32
        %dma_start3A_166 = tpu.memref_slice %arg6[%rem3A_44, %run_scoped3A_90, %run_scoped3A_91, %dma_start3A_165] : memref<2x4x2x128xi32, #tpu.memory_space<vmem>> -> memref<1x1x1x128xi32, #tpu.memory_space<vmem>>
        %dma_start3A_167 = tpu.memref_squeeze %dma_start3A_166 : memref<1x1x1x128xi32, #tpu.memory_space<vmem>> -> memref<128xi32, #tpu.memory_space<vmem>>
        %dma_start3A_168 = arith.constant 0 : i32
        %dma_start3A_169 = arith.constant 0 : i32
        %dma_start3A_170 = tpu.memref_slice %arg8[%dma_start3A_168, %dma_start3A_169] : memref<10240x128xf32, #tpu.memory_space<vmem_shared>> -> memref<10240x128xf32, #tpu.memory_space<vmem_shared>>
        tpu.enqueue_indirect_dma source(%dma_start3A_164 : memref<128x128xf32, #tpu.memory_space<vmem>>) target(%dma_start3A_170 : memref<10240x128xf32, #tpu.memory_space<vmem_shared>>) offsets(%dma_start3A_167 : memref<128xi32, #tpu.memory_space<vmem>>) semaphore(%run_scoped3A_160 : memref<!tpu.dma_semaphore, #tpu.memory_space<semaphore_mem>>) {add = true}
        %dma_wait3A_171 = arith.constant 0 : i32
        %dma_wait3A_172 = arith.constant 0 : i32
        %dma_wait3A_173 = tpu.memref_slice %arg7[%run_scoped3A_89, %dma_wait3A_171, %dma_wait3A_172] : memref<2x128x128xf32, #tpu.memory_space<vmem>> -> memref<1x128x128xf32, #tpu.memory_space<vmem>>
        %dma_wait3A_174 = tpu.memref_squeeze %dma_wait3A_173 : memref<1x128x128xf32, #tpu.memory_space<vmem>> -> memref<128x128xf32, #tpu.memory_space<vmem>>
        %dma_wait3A_175 = arith.constant 0 : i32
        %dma_wait3A_176 = tpu.memref_slice %arg6[%rem3A_44, %run_scoped3A_90, %run_scoped3A_91, %dma_wait3A_175] : memref<2x4x2x128xi32, #tpu.memory_space<vmem>> -> memref<1x1x1x128xi32, #tpu.memory_space<vmem>>
        %dma_wait3A_177 = tpu.memref_squeeze %dma_wait3A_176 : memref<1x1x1x128xi32, #tpu.memory_space<vmem>> -> memref<128xi32, #tpu.memory_space<vmem>>
        %dma_wait3A_178 = arith.constant 0 : i32
        %dma_wait3A_179 = arith.constant 0 : i32
        %dma_wait3A_180 = tpu.memref_slice %arg8[%dma_wait3A_178, %dma_wait3A_179] : memref<10240x128xf32, #tpu.memory_space<vmem_shared>> -> memref<10240x128xf32, #tpu.memory_space<vmem_shared>>
        tpu.wait_indirect_dma semaphore(%run_scoped3A_160 : memref<!tpu.dma_semaphore, #tpu.memory_space<semaphore_mem>>) src(%dma_wait3A_174 : memref<128x128xf32, #tpu.memory_space<vmem>>) dst(%dma_wait3A_180 : memref<10240x128xf32, #tpu.memory_space<vmem_shared>>)
        tpu.yield
      }) : () -> ()
      %add3A_92 = arith.constant 2 : i32
      %add3A_93 = arith.addi %add3A_75, %add3A_92 : i32
      %lt3A_94 = arith.constant 80 : i32
      %lt3A_95 = arith.cmpi slt, %add3A_93, %lt3A_94 : i32
      %convert_element_type3A_96 = arith.extui %lt3A_95 : i1 to i32
      %cond3A_97 = arith.constant 0 : i32
      %cond3A_98 = arith.cmpi ne, %convert_element_type3A_96, %cond3A_97 : i32
      scf.if %cond3A_98 {
        %dma_start3A_160 = arith.constant 3 : i32
        %dma_start3A_161 = arith.constant 0 : i32
        %dma_start3A_162 = arith.constant 1 : i32
        %dma_start3A_163 = arith.constant 0 : i32
        %dma_start3A_164 = arith.constant 0 : i32
        %dma_start3A_165 = tpu.memref_slice %arg7[%dma_start3A_162, %dma_start3A_163, %dma_start3A_164] : memref<2x128x128xf32, #tpu.memory_space<vmem>> -> memref<1x128x128xf32, #tpu.memory_space<vmem>>
        %dma_start3A_166 = tpu.memref_squeeze %dma_start3A_165 : memref<1x128x128xf32, #tpu.memory_space<vmem>> -> memref<128x128xf32, #tpu.memory_space<vmem>>
        %dma_start3A_167 = arith.constant 0 : i32
        %dma_start3A_168 = tpu.memref_slice %arg6[%rem3A_44, %dma_start3A_160, %dma_start3A_161, %dma_start3A_167] : memref<2x4x2x128xi32, #tpu.memory_space<vmem>> -> memref<1x1x1x128xi32, #tpu.memory_space<vmem>>
        %dma_start3A_169 = tpu.memref_squeeze %dma_start3A_168 : memref<1x1x1x128xi32, #tpu.memory_space<vmem>> -> memref<128xi32, #tpu.memory_space<vmem>>
        %dma_start3A_170 = arith.constant 0 : i32
        %dma_start3A_171 = arith.constant 0 : i32
        %dma_start3A_172 = tpu.memref_slice %arg2[%dma_start3A_170, %dma_start3A_171] : memref<10000x128xf32, #tpu.memory_space<hbm>> -> memref<10000x128xf32, #tpu.memory_space<hbm>>
        tpu.enqueue_indirect_dma source(%dma_start3A_172 : memref<10000x128xf32, #tpu.memory_space<hbm>>) target(%dma_start3A_166 : memref<128x128xf32, #tpu.memory_space<vmem>>) offsets(%dma_start3A_169 : memref<128xi32, #tpu.memory_space<vmem>>) semaphore(%arg11 : memref<!tpu.dma_semaphore, #tpu.memory_space<semaphore_mem>>)
      } else {
      }
      %mul3A_99 = arith.constant 4 : i32
      %mul3A_100 = arith.muli %scan3A_43, %mul3A_99 : i32
      %add3A_101 = arith.constant 2 : i32
      %add3A_102 = arith.addi %mul3A_100, %add3A_101 : i32
      %dma_wait3A_103 = arith.constant 2 : i32
      %dma_wait3A_104 = arith.constant 0 : i32
      %dma_wait3A_105 = arith.constant 0 : i32
      %dma_wait3A_106 = arith.constant 0 : i32
      %dma_wait3A_107 = arith.constant 0 : i32
      %dma_wait3A_108 = tpu.memref_slice %arg7[%dma_wait3A_105, %dma_wait3A_106, %dma_wait3A_107] : memref<2x128x128xf32, #tpu.memory_space<vmem>> -> memref<1x128x128xf32, #tpu.memory_space<vmem>>
      %dma_wait3A_109 = tpu.memref_squeeze %dma_wait3A_108 : memref<1x128x128xf32, #tpu.memory_space<vmem>> -> memref<128x128xf32, #tpu.memory_space<vmem>>
      %dma_wait3A_110 = arith.constant 0 : i32
      %dma_wait3A_111 = tpu.memref_slice %arg6[%rem3A_44, %dma_wait3A_103, %dma_wait3A_104, %dma_wait3A_110] : memref<2x4x2x128xi32, #tpu.memory_space<vmem>> -> memref<1x1x1x128xi32, #tpu.memory_space<vmem>>
      %dma_wait3A_112 = tpu.memref_squeeze %dma_wait3A_111 : memref<1x1x1x128xi32, #tpu.memory_space<vmem>> -> memref<128xi32, #tpu.memory_space<vmem>>
      %dma_wait3A_113 = arith.constant 0 : i32
      %dma_wait3A_114 = arith.constant 0 : i32
      %dma_wait3A_115 = tpu.memref_slice %arg2[%dma_wait3A_113, %dma_wait3A_114] : memref<10000x128xf32, #tpu.memory_space<hbm>> -> memref<10000x128xf32, #tpu.memory_space<hbm>>
      tpu.wait_indirect_dma semaphore(%arg10 : memref<!tpu.dma_semaphore, #tpu.memory_space<semaphore_mem>>) src(%dma_wait3A_115 : memref<10000x128xf32, #tpu.memory_space<hbm>>) dst(%dma_wait3A_109 : memref<128x128xf32, #tpu.memory_space<vmem>>)
      %run_scoped3A_116 = arith.constant 0 : i32
      %run_scoped3A_117 = arith.constant 2 : i32
      %run_scoped3A_118 = arith.constant 1 : i32
      "tpu.region"() ({
        %run_scoped3A_160 = tpu.sem_alloc : memref<!tpu.dma_semaphore, #tpu.memory_space<semaphore_mem>>
        %dma_start3A_161 = arith.constant 0 : i32
        %dma_start3A_162 = arith.constant 0 : i32
        %dma_start3A_163 = tpu.memref_slice %arg7[%run_scoped3A_116, %dma_start3A_161, %dma_start3A_162] : memref<2x128x128xf32, #tpu.memory_space<vmem>> -> memref<1x128x128xf32, #tpu.memory_space<vmem>>
        %dma_start3A_164 = tpu.memref_squeeze %dma_start3A_163 : memref<1x128x128xf32, #tpu.memory_space<vmem>> -> memref<128x128xf32, #tpu.memory_space<vmem>>
        %dma_start3A_165 = arith.constant 0 : i32
        %dma_start3A_166 = tpu.memref_slice %arg6[%rem3A_44, %run_scoped3A_117, %run_scoped3A_118, %dma_start3A_165] : memref<2x4x2x128xi32, #tpu.memory_space<vmem>> -> memref<1x1x1x128xi32, #tpu.memory_space<vmem>>
        %dma_start3A_167 = tpu.memref_squeeze %dma_start3A_166 : memref<1x1x1x128xi32, #tpu.memory_space<vmem>> -> memref<128xi32, #tpu.memory_space<vmem>>
        %dma_start3A_168 = arith.constant 0 : i32
        %dma_start3A_169 = arith.constant 0 : i32
        %dma_start3A_170 = tpu.memref_slice %arg8[%dma_start3A_168, %dma_start3A_169] : memref<10240x128xf32, #tpu.memory_space<vmem_shared>> -> memref<10240x128xf32, #tpu.memory_space<vmem_shared>>
        tpu.enqueue_indirect_dma source(%dma_start3A_164 : memref<128x128xf32, #tpu.memory_space<vmem>>) target(%dma_start3A_170 : memref<10240x128xf32, #tpu.memory_space<vmem_shared>>) offsets(%dma_start3A_167 : memref<128xi32, #tpu.memory_space<vmem>>) semaphore(%run_scoped3A_160 : memref<!tpu.dma_semaphore, #tpu.memory_space<semaphore_mem>>) {add = true}
        %dma_wait3A_171 = arith.constant 0 : i32
        %dma_wait3A_172 = arith.constant 0 : i32
        %dma_wait3A_173 = tpu.memref_slice %arg7[%run_scoped3A_116, %dma_wait3A_171, %dma_wait3A_172] : memref<2x128x128xf32, #tpu.memory_space<vmem>> -> memref<1x128x128xf32, #tpu.memory_space<vmem>>
        %dma_wait3A_174 = tpu.memref_squeeze %dma_wait3A_173 : memref<1x128x128xf32, #tpu.memory_space<vmem>> -> memref<128x128xf32, #tpu.memory_space<vmem>>
        %dma_wait3A_175 = arith.constant 0 : i32
        %dma_wait3A_176 = tpu.memref_slice %arg6[%rem3A_44, %run_scoped3A_117, %run_scoped3A_118, %dma_wait3A_175] : memref<2x4x2x128xi32, #tpu.memory_space<vmem>> -> memref<1x1x1x128xi32, #tpu.memory_space<vmem>>
        %dma_wait3A_177 = tpu.memref_squeeze %dma_wait3A_176 : memref<1x1x1x128xi32, #tpu.memory_space<vmem>> -> memref<128xi32, #tpu.memory_space<vmem>>
        %dma_wait3A_178 = arith.constant 0 : i32
        %dma_wait3A_179 = arith.constant 0 : i32
        %dma_wait3A_180 = tpu.memref_slice %arg8[%dma_wait3A_178, %dma_wait3A_179] : memref<10240x128xf32, #tpu.memory_space<vmem_shared>> -> memref<10240x128xf32, #tpu.memory_space<vmem_shared>>
        tpu.wait_indirect_dma semaphore(%run_scoped3A_160 : memref<!tpu.dma_semaphore, #tpu.memory_space<semaphore_mem>>) src(%dma_wait3A_174 : memref<128x128xf32, #tpu.memory_space<vmem>>) dst(%dma_wait3A_180 : memref<10240x128xf32, #tpu.memory_space<vmem_shared>>)
        tpu.yield
      }) : () -> ()
      %add3A_119 = arith.constant 2 : i32
      %add3A_120 = arith.addi %add3A_102, %add3A_119 : i32
      %lt3A_121 = arith.constant 80 : i32
      %lt3A_122 = arith.cmpi slt, %add3A_120, %lt3A_121 : i32
      %convert_element_type3A_123 = arith.extui %lt3A_122 : i1 to i32
      %cond3A_124 = arith.constant 0 : i32
      %cond3A_125 = arith.cmpi ne, %convert_element_type3A_123, %cond3A_124 : i32
      scf.if %cond3A_125 {
        %dma_start3A_160 = arith.constant 0 : i32
        %dma_start3A_161 = arith.constant 0 : i32
        %dma_start3A_162 = arith.constant 0 : i32
        %dma_start3A_163 = arith.constant 0 : i32
        %dma_start3A_164 = arith.constant 0 : i32
        %dma_start3A_165 = tpu.memref_slice %arg7[%dma_start3A_162, %dma_start3A_163, %dma_start3A_164] : memref<2x128x128xf32, #tpu.memory_space<vmem>> -> memref<1x128x128xf32, #tpu.memory_space<vmem>>
        %dma_start3A_166 = tpu.memref_squeeze %dma_start3A_165 : memref<1x128x128xf32, #tpu.memory_space<vmem>> -> memref<128x128xf32, #tpu.memory_space<vmem>>
        %dma_start3A_167 = arith.constant 0 : i32
        %dma_start3A_168 = tpu.memref_slice %arg6[%rem3A_47, %dma_start3A_160, %dma_start3A_161, %dma_start3A_167] : memref<2x4x2x128xi32, #tpu.memory_space<vmem>> -> memref<1x1x1x128xi32, #tpu.memory_space<vmem>>
        %dma_start3A_169 = tpu.memref_squeeze %dma_start3A_168 : memref<1x1x1x128xi32, #tpu.memory_space<vmem>> -> memref<128xi32, #tpu.memory_space<vmem>>
        %dma_start3A_170 = arith.constant 0 : i32
        %dma_start3A_171 = arith.constant 0 : i32
        %dma_start3A_172 = tpu.memref_slice %arg2[%dma_start3A_170, %dma_start3A_171] : memref<10000x128xf32, #tpu.memory_space<hbm>> -> memref<10000x128xf32, #tpu.memory_space<hbm>>
        tpu.enqueue_indirect_dma source(%dma_start3A_172 : memref<10000x128xf32, #tpu.memory_space<hbm>>) target(%dma_start3A_166 : memref<128x128xf32, #tpu.memory_space<vmem>>) offsets(%dma_start3A_169 : memref<128xi32, #tpu.memory_space<vmem>>) semaphore(%arg10 : memref<!tpu.dma_semaphore, #tpu.memory_space<semaphore_mem>>)
      } else {
      }
      %mul3A_126 = arith.constant 4 : i32
      %mul3A_127 = arith.muli %scan3A_43, %mul3A_126 : i32
      %add3A_128 = arith.constant 3 : i32
      %add3A_129 = arith.addi %mul3A_127, %add3A_128 : i32
      %dma_wait3A_130 = arith.constant 3 : i32
      %dma_wait3A_131 = arith.constant 0 : i32
      %dma_wait3A_132 = arith.constant 1 : i32
      %dma_wait3A_133 = arith.constant 0 : i32
      %dma_wait3A_134 = arith.constant 0 : i32
      %dma_wait3A_135 = tpu.memref_slice %arg7[%dma_wait3A_132, %dma_wait3A_133, %dma_wait3A_134] : memref<2x128x128xf32, #tpu.memory_space<vmem>> -> memref<1x128x128xf32, #tpu.memory_space<vmem>>
      %dma_wait3A_136 = tpu.memref_squeeze %dma_wait3A_135 : memref<1x128x128xf32, #tpu.memory_space<vmem>> -> memref<128x128xf32, #tpu.memory_space<vmem>>
      %dma_wait3A_137 = arith.constant 0 : i32
      %dma_wait3A_138 = tpu.memref_slice %arg6[%rem3A_44, %dma_wait3A_130, %dma_wait3A_131, %dma_wait3A_137] : memref<2x4x2x128xi32, #tpu.memory_space<vmem>> -> memref<1x1x1x128xi32, #tpu.memory_space<vmem>>
      %dma_wait3A_139 = tpu.memref_squeeze %dma_wait3A_138 : memref<1x1x1x128xi32, #tpu.memory_space<vmem>> -> memref<128xi32, #tpu.memory_space<vmem>>
      %dma_wait3A_140 = arith.constant 0 : i32
      %dma_wait3A_141 = arith.constant 0 : i32
      %dma_wait3A_142 = tpu.memref_slice %arg2[%dma_wait3A_140, %dma_wait3A_141] : memref<10000x128xf32, #tpu.memory_space<hbm>> -> memref<10000x128xf32, #tpu.memory_space<hbm>>
      tpu.wait_indirect_dma semaphore(%arg11 : memref<!tpu.dma_semaphore, #tpu.memory_space<semaphore_mem>>) src(%dma_wait3A_142 : memref<10000x128xf32, #tpu.memory_space<hbm>>) dst(%dma_wait3A_136 : memref<128x128xf32, #tpu.memory_space<vmem>>)
      %run_scoped3A_143 = arith.constant 1 : i32
      %run_scoped3A_144 = arith.constant 3 : i32
      %run_scoped3A_145 = arith.constant 1 : i32
      "tpu.region"() ({
        %run_scoped3A_160 = tpu.sem_alloc : memref<!tpu.dma_semaphore, #tpu.memory_space<semaphore_mem>>
        %dma_start3A_161 = arith.constant 0 : i32
        %dma_start3A_162 = arith.constant 0 : i32
        %dma_start3A_163 = tpu.memref_slice %arg7[%run_scoped3A_143, %dma_start3A_161, %dma_start3A_162] : memref<2x128x128xf32, #tpu.memory_space<vmem>> -> memref<1x128x128xf32, #tpu.memory_space<vmem>>
        %dma_start3A_164 = tpu.memref_squeeze %dma_start3A_163 : memref<1x128x128xf32, #tpu.memory_space<vmem>> -> memref<128x128xf32, #tpu.memory_space<vmem>>
        %dma_start3A_165 = arith.constant 0 : i32
        %dma_start3A_166 = tpu.memref_slice %arg6[%rem3A_44, %run_scoped3A_144, %run_scoped3A_145, %dma_start3A_165] : memref<2x4x2x128xi32, #tpu.memory_space<vmem>> -> memref<1x1x1x128xi32, #tpu.memory_space<vmem>>
        %dma_start3A_167 = tpu.memref_squeeze %dma_start3A_166 : memref<1x1x1x128xi32, #tpu.memory_space<vmem>> -> memref<128xi32, #tpu.memory_space<vmem>>
        %dma_start3A_168 = arith.constant 0 : i32
        %dma_start3A_169 = arith.constant 0 : i32
        %dma_start3A_170 = tpu.memref_slice %arg8[%dma_start3A_168, %dma_start3A_169] : memref<10240x128xf32, #tpu.memory_space<vmem_shared>> -> memref<10240x128xf32, #tpu.memory_space<vmem_shared>>
        tpu.enqueue_indirect_dma source(%dma_start3A_164 : memref<128x128xf32, #tpu.memory_space<vmem>>) target(%dma_start3A_170 : memref<10240x128xf32, #tpu.memory_space<vmem_shared>>) offsets(%dma_start3A_167 : memref<128xi32, #tpu.memory_space<vmem>>) semaphore(%run_scoped3A_160 : memref<!tpu.dma_semaphore, #tpu.memory_space<semaphore_mem>>) {add = true}
        %dma_wait3A_171 = arith.constant 0 : i32
        %dma_wait3A_172 = arith.constant 0 : i32
        %dma_wait3A_173 = tpu.memref_slice %arg7[%run_scoped3A_143, %dma_wait3A_171, %dma_wait3A_172] : memref<2x128x128xf32, #tpu.memory_space<vmem>> -> memref<1x128x128xf32, #tpu.memory_space<vmem>>
        %dma_wait3A_174 = tpu.memref_squeeze %dma_wait3A_173 : memref<1x128x128xf32, #tpu.memory_space<vmem>> -> memref<128x128xf32, #tpu.memory_space<vmem>>
        %dma_wait3A_175 = arith.constant 0 : i32
        %dma_wait3A_176 = tpu.memref_slice %arg6[%rem3A_44, %run_scoped3A_144, %run_scoped3A_145, %dma_wait3A_175] : memref<2x4x2x128xi32, #tpu.memory_space<vmem>> -> memref<1x1x1x128xi32, #tpu.memory_space<vmem>>
        %dma_wait3A_177 = tpu.memref_squeeze %dma_wait3A_176 : memref<1x1x1x128xi32, #tpu.memory_space<vmem>> -> memref<128xi32, #tpu.memory_space<vmem>>
        %dma_wait3A_178 = arith.constant 0 : i32
        %dma_wait3A_179 = arith.constant 0 : i32
        %dma_wait3A_180 = tpu.memref_slice %arg8[%dma_wait3A_178, %dma_wait3A_179] : memref<10240x128xf32, #tpu.memory_space<vmem_shared>> -> memref<10240x128xf32, #tpu.memory_space<vmem_shared>>
        tpu.wait_indirect_dma semaphore(%run_scoped3A_160 : memref<!tpu.dma_semaphore, #tpu.memory_space<semaphore_mem>>) src(%dma_wait3A_174 : memref<128x128xf32, #tpu.memory_space<vmem>>) dst(%dma_wait3A_180 : memref<10240x128xf32, #tpu.memory_space<vmem_shared>>)
        tpu.yield
      }) : () -> ()
      %add3A_146 = arith.constant 2 : i32
      %add3A_147 = arith.addi %add3A_129, %add3A_146 : i32
      %lt3A_148 = arith.constant 80 : i32
      %lt3A_149 = arith.cmpi slt, %add3A_147, %lt3A_148 : i32
      %convert_element_type3A_150 = arith.extui %lt3A_149 : i1 to i32
      %cond3A_151 = arith.constant 0 : i32
      %cond3A_152 = arith.cmpi ne, %convert_element_type3A_150, %cond3A_151 : i32
      scf.if %cond3A_152 {
        %dma_start3A_160 = arith.constant 1 : i32
        %dma_start3A_161 = arith.constant 0 : i32
        %dma_start3A_162 = arith.constant 1 : i32
        %dma_start3A_163 = arith.constant 0 : i32
        %dma_start3A_164 = arith.constant 0 : i32
        %dma_start3A_165 = tpu.memref_slice %arg7[%dma_start3A_162, %dma_start3A_163, %dma_start3A_164] : memref<2x128x128xf32, #tpu.memory_space<vmem>> -> memref<1x128x128xf32, #tpu.memory_space<vmem>>
        %dma_start3A_166 = tpu.memref_squeeze %dma_start3A_165 : memref<1x128x128xf32, #tpu.memory_space<vmem>> -> memref<128x128xf32, #tpu.memory_space<vmem>>
        %dma_start3A_167 = arith.constant 0 : i32
        %dma_start3A_168 = tpu.memref_slice %arg6[%rem3A_47, %dma_start3A_160, %dma_start3A_161, %dma_start3A_167] : memref<2x4x2x128xi32, #tpu.memory_space<vmem>> -> memref<1x1x1x128xi32, #tpu.memory_space<vmem>>
        %dma_start3A_169 = tpu.memref_squeeze %dma_start3A_168 : memref<1x1x1x128xi32, #tpu.memory_space<vmem>> -> memref<128xi32, #tpu.memory_space<vmem>>
        %dma_start3A_170 = arith.constant 0 : i32
        %dma_start3A_171 = arith.constant 0 : i32
        %dma_start3A_172 = tpu.memref_slice %arg2[%dma_start3A_170, %dma_start3A_171] : memref<10000x128xf32, #tpu.memory_space<hbm>> -> memref<10000x128xf32, #tpu.memory_space<hbm>>
        tpu.enqueue_indirect_dma source(%dma_start3A_172 : memref<10000x128xf32, #tpu.memory_space<hbm>>) target(%dma_start3A_166 : memref<128x128xf32, #tpu.memory_space<vmem>>) offsets(%dma_start3A_169 : memref<128xi32, #tpu.memory_space<vmem>>) semaphore(%arg11 : memref<!tpu.dma_semaphore, #tpu.memory_space<semaphore_mem>>)
      } else {
      }
      %add3A_153 = arith.constant 2 : i32
      %add3A_154 = arith.addi %scan3A_43, %add3A_153 : i32
      %lt3A_155 = arith.constant 20 : i32
      %lt3A_156 = arith.cmpi slt, %add3A_154, %lt3A_155 : i32
      %convert_element_type3A_157 = arith.extui %lt3A_156 : i1 to i32
      %cond3A_158 = arith.constant 0 : i32
      %cond3A_159 = arith.cmpi ne, %convert_element_type3A_157, %cond3A_158 : i32
      scf.if %cond3A_159 {
        %add3A_160 = arith.constant 2 : i32
        %add3A_161 = arith.addi %scan3A_43, %add3A_160 : i32
        "tpu.region"() ({
          %run_scoped3A_162 = tpu.sem_alloc : memref<!tpu.dma_semaphore, #tpu.memory_space<semaphore_mem>>
          %dma_start3A_163 = arith.constant 0 : i32
          %dma_start3A_164 = arith.constant 0 : i32
          %dma_start3A_165 = arith.constant 0 : i32
          %dma_start3A_166 = tpu.memref_slice %arg6[%rem3A_44, %dma_start3A_163, %dma_start3A_164, %dma_start3A_165] : memref<2x4x2x128xi32, #tpu.memory_space<vmem>> -> memref<1x4x2x128xi32, #tpu.memory_space<vmem>>
          %dma_start3A_167 = tpu.memref_squeeze %dma_start3A_166 : memref<1x4x2x128xi32, #tpu.memory_space<vmem>> -> memref<4x2x128xi32, #tpu.memory_space<vmem>>
          %dma_start3A_168 = arith.constant 0 : i32
          %dma_start3A_169 = arith.constant 0 : i32
          %dma_start3A_170 = arith.constant 0 : i32
          %dma_start3A_171 = tpu.memref_slice %arg3[%arg0, %arg1, %add3A_161, %dma_start3A_168, %dma_start3A_169, %dma_start3A_170] : memref<2x16x20x4x2x128xi32, #tpu.memory_space<hbm>> -> memref<1x1x1x4x2x128xi32, #tpu.memory_space<hbm>>
          %dma_start3A_172 = tpu.memref_squeeze %dma_start3A_171 : memref<1x1x1x4x2x128xi32, #tpu.memory_space<hbm>> -> memref<4x2x128xi32, #tpu.memory_space<hbm>>
          %dma_start3A_173 = arith.constant 0 : i32
          %dma_start3A_174 = arith.constant 0 : i32
          %dma_start3A_175 = arith.constant 0 : i32
          %dma_start3A_176 = tpu.memref_slice %arg6[%rem3A_44, %dma_start3A_173, %dma_start3A_174, %dma_start3A_175] : memref<2x4x2x128xi32, #tpu.memory_space<vmem>> -> memref<1x4x2x128xi32, #tpu.memory_space<vmem>>
          %dma_start3A_177 = tpu.memref_squeeze %dma_start3A_176 : memref<1x4x2x128xi32, #tpu.memory_space<vmem>> -> memref<4x2x128xi32, #tpu.memory_space<vmem>>
          %dma_start3A_178 = arith.constant 0 : i32
          %dma_start3A_179 = arith.constant 0 : i32
          %dma_start3A_180 = arith.constant 0 : i32
          %dma_start3A_181 = tpu.memref_slice %arg3[%arg0, %arg1, %add3A_161, %dma_start3A_178, %dma_start3A_179, %dma_start3A_180] : memref<2x16x20x4x2x128xi32, #tpu.memory_space<hbm>> -> memref<1x1x1x4x2x128xi32, #tpu.memory_space<hbm>>
          %dma_start3A_182 = tpu.memref_squeeze %dma_start3A_181 : memref<1x1x1x4x2x128xi32, #tpu.memory_space<hbm>> -> memref<4x2x128xi32, #tpu.memory_space<hbm>>
          tpu.enqueue_dma source(%dma_start3A_182 : memref<4x2x128xi32, #tpu.memory_space<hbm>>) target(%dma_start3A_177 : memref<4x2x128xi32, #tpu.memory_space<vmem>>) target_semaphore(%run_scoped3A_162 : memref<!tpu.dma_semaphore, #tpu.memory_space<semaphore_mem>>)
          %dma_wait3A_183 = arith.constant 0 : i32
          %dma_wait3A_184 = arith.constant 0 : i32
          %dma_wait3A_185 = arith.constant 0 : i32
          %dma_wait3A_186 = tpu.memref_slice %arg6[%rem3A_44, %dma_wait3A_183, %dma_wait3A_184, %dma_wait3A_185] : memref<2x4x2x128xi32, #tpu.memory_space<vmem>> -> memref<1x4x2x128xi32, #tpu.memory_space<vmem>>
          %dma_wait3A_187 = tpu.memref_squeeze %dma_wait3A_186 : memref<1x4x2x128xi32, #tpu.memory_space<vmem>> -> memref<4x2x128xi32, #tpu.memory_space<vmem>>
          %dma_wait3A_188 = arith.constant 0 : i32
          %dma_wait3A_189 = arith.constant 0 : i32
          %dma_wait3A_190 = arith.constant 0 : i32
          %dma_wait3A_191 = tpu.memref_slice %arg3[%arg0, %arg1, %add3A_161, %dma_wait3A_188, %dma_wait3A_189, %dma_wait3A_190] : memref<2x16x20x4x2x128xi32, #tpu.memory_space<hbm>> -> memref<1x1x1x4x2x128xi32, #tpu.memory_space<hbm>>
          %dma_wait3A_192 = tpu.memref_squeeze %dma_wait3A_191 : memref<1x1x1x4x2x128xi32, #tpu.memory_space<hbm>> -> memref<4x2x128xi32, #tpu.memory_space<hbm>>
          %dma_wait3A_193 = arith.constant 0 : i32
          %dma_wait3A_194 = arith.constant 0 : i32
          %dma_wait3A_195 = arith.constant 0 : i32
          %dma_wait3A_196 = tpu.memref_slice %arg6[%rem3A_44, %dma_wait3A_193, %dma_wait3A_194, %dma_wait3A_195] : memref<2x4x2x128xi32, #tpu.memory_space<vmem>> -> memref<1x4x2x128xi32, #tpu.memory_space<vmem>>
          %dma_wait3A_197 = tpu.memref_squeeze %dma_wait3A_196 : memref<1x4x2x128xi32, #tpu.memory_space<vmem>> -> memref<4x2x128xi32, #tpu.memory_space<vmem>>
          %dma_wait3A_198 = arith.constant 0 : i32
          %dma_wait3A_199 = arith.constant 0 : i32
          %dma_wait3A_200 = arith.constant 0 : i32
          %dma_wait3A_201 = tpu.memref_slice %arg3[%arg0, %arg1, %add3A_161, %dma_wait3A_198, %dma_wait3A_199, %dma_wait3A_200] : memref<2x16x20x4x2x128xi32, #tpu.memory_space<hbm>> -> memref<1x1x1x4x2x128xi32, #tpu.memory_space<hbm>>
          %dma_wait3A_202 = tpu.memref_squeeze %dma_wait3A_201 : memref<1x1x1x4x2x128xi32, #tpu.memory_space<hbm>> -> memref<4x2x128xi32, #tpu.memory_space<hbm>>
          tpu.wait_dma2 semaphore(%run_scoped3A_162 : memref<!tpu.dma_semaphore, #tpu.memory_space<semaphore_mem>>) src(%dma_wait3A_202 : memref<4x2x128xi32, #tpu.memory_space<hbm>>) dst(%dma_wait3A_197 : memref<4x2x128xi32, #tpu.memory_space<vmem>>)
          tpu.yield
        }) : () -> ()
      } else {
      }
    }
    %scan3A_37 = arith.constant 20 : i32
    %barrier3A_38 = arith.constant 0 : index
    tpu.barrier barrier_id(%barrier3A_38)
    %mul3A_39 = arith.constant 640 : i32
    %mul3A_40 = arith.muli %arg1, %mul3A_39 : i32
    %mul3A_41 = arith.constant 640 : i32
    %mul3A_42 = arith.muli %arg1, %mul3A_41 : i32
    "tpu.region"() ({
      %run_scoped3A_43 = tpu.sem_alloc : memref<!tpu.dma_semaphore, #tpu.memory_space<semaphore_mem>>
      %dma_start3A_44 = arith.constant 0 : i32
      %dma_start3A_45 = tpu.memref_slice %arg5[%arg0, %mul3A_42, %dma_start3A_44] : memref<2x10240x128xf32, #tpu.memory_space<hbm>> -> memref<1x640x128xf32, #tpu.memory_space<hbm>>
      %dma_start3A_46 = tpu.memref_squeeze %dma_start3A_45 : memref<1x640x128xf32, #tpu.memory_space<hbm>> -> memref<640x128xf32, #tpu.memory_space<hbm>>
      %dma_start3A_47 = arith.constant 0 : i32
      %dma_start3A_48 = tpu.memref_slice %arg8[%mul3A_40, %dma_start3A_47] : memref<10240x128xf32, #tpu.memory_space<vmem_shared>> -> memref<640x128xf32, #tpu.memory_space<vmem_shared>>
      tpu.enqueue_dma source(%dma_start3A_48 : memref<640x128xf32, #tpu.memory_space<vmem_shared>>) target(%dma_start3A_46 : memref<640x128xf32, #tpu.memory_space<hbm>>) target_semaphore(%run_scoped3A_43 : memref<!tpu.dma_semaphore, #tpu.memory_space<semaphore_mem>>)
      %dma_wait3A_49 = arith.constant 0 : i32
      %dma_wait3A_50 = tpu.memref_slice %arg5[%arg0, %mul3A_42, %dma_wait3A_49] : memref<2x10240x128xf32, #tpu.memory_space<hbm>> -> memref<1x640x128xf32, #tpu.memory_space<hbm>>
      %dma_wait3A_51 = tpu.memref_squeeze %dma_wait3A_50 : memref<1x640x128xf32, #tpu.memory_space<hbm>> -> memref<640x128xf32, #tpu.memory_space<hbm>>
      %dma_wait3A_52 = arith.constant 0 : i32
      %dma_wait3A_53 = tpu.memref_slice %arg8[%mul3A_40, %dma_wait3A_52] : memref<10240x128xf32, #tpu.memory_space<vmem_shared>> -> memref<640x128xf32, #tpu.memory_space<vmem_shared>>
      tpu.wait_dma2 semaphore(%run_scoped3A_43 : memref<!tpu.dma_semaphore, #tpu.memory_space<semaphore_mem>>) src(%dma_wait3A_53 : memref<640x128xf32, #tpu.memory_space<vmem_shared>>) dst(%dma_wait3A_51 : memref<640x128xf32, #tpu.memory_space<hbm>>)
      tpu.yield
    }) : () -> ()
    return
  }
}

module attributes {stable_mosaic.version = 14 : i64} {
  func.func @_final_body(%arg0: i32, %arg1: memref<2x1000x128xf32, #tpu.memory_space<vmem>>, %arg2: memref<128x128xf32, #tpu.memory_space<vmem>>, %arg3: memref<1x128xf32, #tpu.memory_space<vmem>>, %arg4: memref<1000x128xf32, #tpu.memory_space<vmem>>) attributes {dimension_semantics = [#tpu.dimension_semantics<arbitrary>], iteration_bounds = array<i64: 10>, scalar_prefetch = 0 : i64, scratch_operands = 0 : i64, tpu.core_type = #tpu.core_type<tc>, window_params = [{transform_indices = @transform_0, window_bounds = array<i64: 2, 1000, 128>}, {pipeline_mode = #tpu.pipeline_mode<synchronous>, transform_indices = @transform_1, window_bounds = array<i64: 128, 128>}, {pipeline_mode = #tpu.pipeline_mode<synchronous>, transform_indices = @transform_2, window_bounds = array<i64: 1, 128>}, {transform_indices = @transform_3, window_bounds = array<i64: 1000, 128>}]} {
    %get3A = arith.constant 0 : index
    %get3A_0 = arith.constant 0 : index
    %get3A_1 = arith.constant 0 : index
    %get3A_2 = vector.load %arg1[%get3A, %get3A_0, %get3A_1] : memref<2x1000x128xf32, #tpu.memory_space<vmem>>, vector<1x1000x128xf32>
    %get3A_3 = vector.shape_cast %get3A_2 : vector<1x1000x128xf32> to vector<1000x128xf32>
    %get3A_4 = arith.constant 1 : index
    %get3A_5 = arith.constant 0 : index
    %get3A_6 = arith.constant 0 : index
    %get3A_7 = vector.load %arg1[%get3A_4, %get3A_5, %get3A_6] : memref<2x1000x128xf32, #tpu.memory_space<vmem>>, vector<1x1000x128xf32>
    %get3A_8 = vector.shape_cast %get3A_7 : vector<1x1000x128xf32> to vector<1000x128xf32>
    %add3A = arith.addf %get3A_3, %get3A_8 : vector<1000x128xf32>
    %get3A_9 = arith.constant 0 : index
    %get3A_10 = arith.constant 0 : index
    %get3A_11 = vector.load %arg2[%get3A_9, %get3A_10] : memref<128x128xf32, #tpu.memory_space<vmem>>, vector<128x128xf32>
    %dot_general3A = arith.constant dense<0.000000e+00> : vector<1000x128xf32>
    %dot_general3A_12 = tpu.matmul %add3A, %get3A_11, %dot_general3A {dimension_numbers = #tpu.dot_dimension_numbers<[1], [0], [0], [1], [0, 0, 1, 1], [], []>, transpose_lhs_hint = false} : vector<1000x128xf32>, vector<128x128xf32>, vector<1000x128xf32> -> vector<1000x128xf32>
    %get3A_13 = arith.constant 0 : index
    %get3A_14 = arith.constant 0 : index
    %get3A_15 = vector.load %arg3[%get3A_13, %get3A_14] : memref<1x128xf32, #tpu.memory_space<vmem>>, vector<1x128xf32>
    %add3A_16 = vector.broadcast %get3A_15 : vector<1x128xf32> to vector<1000x128xf32>
    %add3A_17 = arith.addf %dot_general3A_12, %add3A_16 : vector<1000x128xf32>
    %swap3A = arith.constant 0 : index
    %swap3A_18 = arith.constant 0 : index
    %swap3A_19 = vector.load %arg4[%swap3A, %swap3A_18] : memref<1000x128xf32, #tpu.memory_space<vmem>>, vector<1000x128xf32>
    tpu.vector_store %arg4[%swap3A, %swap3A_18], %add3A_17 {strides = array<i32>} : memref<1000x128xf32, #tpu.memory_space<vmem>>, vector<1000x128xf32>,
    return
  }
  func.func @transform_0(%arg0: i32) -> (i32, i32, i32) {
    %c0_i32 = arith.constant 0 : i32
    %c0_i32_0 = arith.constant 0 : i32
    %c0_i32_1 = arith.constant 0 : i32
    return %c0_i32, %arg0, %c0_i32_0 : i32, i32, i32
  }
  func.func @transform_1(%arg0: i32) -> (i32, i32) {
    %c0_i32 = arith.constant 0 : i32
    %c0_i32_0 = arith.constant 0 : i32
    %c0_i32_1 = arith.constant 0 : i32
    return %c0_i32, %c0_i32_0 : i32, i32
  }
  func.func @transform_2(%arg0: i32) -> (i32, i32) {
    %c0_i32 = arith.constant 0 : i32
    %c0_i32_0 = arith.constant 0 : i32
    %c0_i32_1 = arith.constant 0 : i32
    return %c0_i32, %c0_i32_0 : i32, i32
  }
  func.func @transform_3(%arg0: i32) -> (i32, i32) {
    %c0_i32 = arith.constant 0 : i32
    %c0_i32_0 = arith.constant 0 : i32
    return %arg0, %c0_i32 : i32, i32
  }
}

</mosaic_0001>

<sc_bundles>
// kernel: kernel.4.cloned.1.call-start
scs
__scs_entry_jumppad:
0x0: {  	(pc) =	sbr.rel $0x88, $3  }
0x1: {  	(tag) =	ssettag $0x0;
	lr =	simm.s32 $0x1  }
0x2: {  	[smem:$0x3F9D] =	sst lr;
	_ =	strace $0xD0000000  }
0x3: {  	_ = 	snop  }
0x4: {  	_ = 	snop  }
0x5: {  	_ = 	snop  }
0x6: {  	_ = 	snop  }
0x7: {  	_ = 	snop  }
__scs_overlays_trampoline_lowered:
0x8: {  	[smem:$0x3FAC] =	sst s0  }
0x9: {  	[smem:$0x3FAD] =	sst s1  }
0xa: {  	[smem:$0x3FAE] =	sst s2  }
0xb: {  	[smem:$0x3FAF] =	sst s3  }
0xc: {  	[smem:$0x3FB0] =	sst s4  }
0xd: {  	[smem:$0x3FB1] =	sst s5  }
0xe: {  	[smem:$0x3FB2] =	sst s6  }
0xf: {  	[smem:$0x3FB3] =	sst s7  }
0x10: {  	[smem:$0x3FB4] =	sst s8  }
0x11: {  	[smem:$0x3FB5] =	sst s9;
	s0 =	simm.s32 @!p0 $0x0  }
0x12: {  	s1 =	sld [smem:$0x3F9B];
	s0 =	simm.s32 @p0 $0x1  }
0x13: {  	[smem:$0x3FB6] =	sst s0;
	s0 =	simm.s32 @!p1 $0x0  }
0x14: {  	s2 =	sld [smem:$0x3F9A];
	s0 =	simm.s32 @p1 $0x1  }
0x15: {  	[smem:$0x3FB7] =	sst s0;
	s0 =	simm.s32 @!p2 $0x0  }
0x16: {  	s3 =	sld [smem:$0x3FDB];
	s0 =	simm.s32 @p2 $0x1  }
0x17: {  	s4 =	simm.s32 $0x1BF5;
	[smem:$0x3FB9] =	sst s0  }
0x18: {  	s0 =	sld [smem:$0x3F9C];
	_ =	swait.ge [sflag:s4], $0x0  }
0x19: {  	s7 =	sld [smem:$0x3F9D]  }
0x1a: {  	s8 =	sadd.s32 $0xFFFFE003, lr  }
0x1b: {  	s9 =	sadd.s32 $0xFFFFFEF7, lr;
	s5 =	simm.s32 $0xFFFFFFFF;
	p2 =	slt.u32 s8, $0xFFFFF086  }
0x1c: {  	p1 =	slt.u32 s9, $0xF7A;
	s5 =	simm.s32 @!p2 $0x0  }
0x1d: {  	s5 =	simm.s32 @p1 $0x1;
	p0 =	seq.s32 s7, s2  }
0x1e: {  	s7 =	smul.u32 @!p0 $0xF7A, s2;
	p2 =	seq.s32 @!p0 s5, $0x0  }
0x1f: {  	s9 =	smul.u32 $0xF7A, s1;
	s8 =	simm.s32 @!p0 $0x1BF5;
	p2 =	por !p2, p0  }
0x20: {  	[sflag:s8] =	ssyncset.s32 @!p0 $0xFFFFF086;
	s6 =	sadd.s32 @!p0 s3, s7;
	s7 =	simm.s32 @!p0 $0x108  }
0x21: {  	s3 =	sadd.s32 s3, s9;
	s6 =	sadd.s32 @!p0 $0x88, s6;
	s7 =	simm.s32 @p2 $0x1082  }
0x22: {  	[simem:s7], [sflag:s8] =	dma.local @!p0 [hbm:s6], $0xF7A  }
0x23: {  	s9 =	sor.u32 $0xD0000000, s2;
	s6 =	simm.s32 $0x108;
	_ =	swait.ge @!p0 [sflag:s8], $0x0  }
0x24: {  	s3 =	sadd.s32 $0x88, s3;
	s6 =	simm.s32 @!p1 $0x1082;
	[sflag:s4] =	ssyncset.s32 $0xFFFFF086  }
0x25: {  	[simem:s6], [sflag:s4] =	dma.local [hbm:s3], $0xF7A  }
0x26: {  	[smem:$0x3F9D] =	sst s1;
	(tag) =	ssettag s2;
	_ =	strace s9  }
0x27: {  	s1 =	sld [smem:$0x3FAD]  }
0x28: {  	s2 =	sld [smem:$0x3FAE]  }
0x29: {  	s4 =	sld [smem:$0x3FB0]  }
0x2a: {  	p0 =	seq.s32 s5, $0x0;
	s5 =	sld [smem:$0x3FB1]  }
0x2b: {  	s6 =	sld [smem:$0x3FB2]  }
0x2c: {  	s7 =	sld [smem:$0x3FB3]  }
0x2d: {  	s3 =	simm.s32 $0x108;
	s8 =	sld [smem:$0x3FB4]  }
0x2e: {  	s3 =	simm.s32 @!p0 $0x1082;
	s9 =	sld [smem:$0x3FB5]  }
0x2f: {  	lr =	sadd.s32 s0, s3;
	s0 =	sld [smem:$0x3FAC]  }
0x30: {  	s3 =	sld [smem:$0x3FAF]  }
0x31: {  	[smem:$0x3FB8] =	sst s10  }
0x32: {  	s10 =	sld [smem:$0x3FB6];
	_ =	sdelay $0x3  }
0x33: {  	p0 =	seq.s32 s10, $0x1;
	s10 =	sld [smem:$0x3FB8];
	_ =	sdelay $0x3  }
0x34: {  	[smem:$0x3FB8] =	sst s10  }
0x35: {  	s10 =	sld [smem:$0x3FB7];
	_ =	sdelay $0x3  }
0x36: {  	p1 =	seq.s32 s10, $0x1;
	s10 =	sld [smem:$0x3FB8];
	_ =	sdelay $0x3  }
0x37: {  	[smem:$0x3FB8] =	sst s10  }
0x38: {  	s10 =	sld [smem:$0x3FB9]  }
0x39: {  	_ = 	snop;
	(pc) =	sbr.ind lr, $3  }
0x3a: {  	_ = 	snop  }
0x3b: {  	_ = 	snop  }
0x3c: {  	p2 =	seq.s32 s10, $0x1;
	s10 =	sld [smem:$0x3FB8]  }
0x3d: {  	_ =	shalt  }
0x3e: {  	_ =	shalt  }
0x3f: {  	_ =	shalt  }
0x40: {  	_ =	shalt  }
0x41: {  	_ =	shalt  }
0x42: {  	_ =	shalt  }
0x43: {  	_ =	shalt  }
0x44: {  	_ =	shalt  }
0x45: {  	_ =	shalt  }
0x46: {  	_ =	shalt  }
0x47: {  	_ =	shalt  }
0x48: {  	_ =	shalt  }
0x49: {  	_ =	shalt  }
0x4a: {  	_ =	shalt  }
0x4b: {  	_ =	shalt  }
0x4c: {  	_ =	shalt  }
0x4d: {  	_ =	shalt  }
0x4e: {  	_ =	shalt  }
0x4f: {  	_ =	shalt  }
0x50: {  	_ =	shalt  }
0x51: {  	_ =	shalt  }
0x52: {  	_ =	shalt  }
0x53: {  	_ =	shalt  }
0x54: {  	_ =	shalt  }
0x55: {  	_ =	shalt  }
0x56: {  	_ =	shalt  }
0x57: {  	_ =	shalt  }
0x58: {  	_ =	shalt  }
0x59: {  	_ =	shalt  }
0x5a: {  	_ =	shalt  }
0x5b: {  	_ =	shalt  }
0x5c: {  	_ =	shalt  }
0x5d: {  	_ =	shalt  }
0x5e: {  	_ =	shalt  }
0x5f: {  	_ =	shalt  }
0x60: {  	_ =	shalt  }
0x61: {  	_ =	shalt  }
0x62: {  	_ =	shalt  }
0x63: {  	_ =	shalt  }
0x64: {  	_ =	shalt  }
0x65: {  	_ =	shalt  }
0x66: {  	_ =	shalt  }
0x67: {  	_ =	shalt  }
0x68: {  	_ =	shalt  }
0x69: {  	_ =	shalt  }
0x6a: {  	_ =	shalt  }
0x6b: {  	_ =	shalt  }
0x6c: {  	_ =	shalt  }
0x6d: {  	_ =	shalt  }
0x6e: {  	_ =	shalt  }
0x6f: {  	_ =	shalt  }
0x70: {  	_ =	shalt  }
0x71: {  	_ =	shalt  }
0x72: {  	_ =	shalt  }
0x73: {  	_ =	shalt  }
0x74: {  	_ =	shalt  }
0x75: {  	_ =	shalt  }
0x76: {  	_ =	shalt  }
0x77: {  	_ =	shalt  }
0x78: {  	_ =	shalt  }
0x79: {  	_ =	shalt  }
0x7a: {  	_ =	shalt  }
0x7b: {  	_ =	shalt  }
0x7c: {  	_ =	shalt  }
0x7d: {  	_ =	shalt  }
0x7e: {  	_ =	shalt  }
0x7f: {  	_ =	shalt  }
0x80: {  	_ =	shalt  }
0x81: {  	_ =	shalt  }
0x82: {  	_ =	shalt  }
0x83: {  	_ =	shalt  }
0x84: {  	_ =	shalt  }
0x85: {  	_ =	shalt  }
0x86: {  	_ =	shalt  }
0x87: {  	_ =	shalt  }
.Lfunc_end0:
.L_simem_size_0:
called_computation_lowered:
.L_overlay_start_0:
0x88: {  	s2 =	sld [smem:$0x3FD9]  }
0x89: {  	s3 =	sld [smem:$0x3FFE];
	_ =	sdelay $0x1  }
0x8a: {  	s1 =	srdreg.scid  }
0x8b: {  	s0 =	sand.u32 $0x1, s1  }
0x8c: {  	s17 =	sshll.u32 s0, $0xA;
	s2 =	sadd.s32 s3, s2  }
0x8d: {  	s2 =	sadd.s32 s2, s17  }
0x8e: {  	[smem:$0x3FC4] =	sst s2  }
0x8f: {  	_ = 	snop  }
0x90: {  	s2 =	sld [smem:$0x3FC9]  }
0x91: {  	s18 =	sld [smem:$0x3FD0];
	(tm) =	ssettm $0x1  }
0x92: {  	s4 =	sld [smem:$0x3FFB];
	_ =	sdelay $0x3  }
0x93: {  	_ =	strace s4  }
0x94: {  	s4 =	sld [smem:$0x3FFC];
	_ =	sdelay $0x3  }
0x95: {  	_ =	strace s4  }
0x96: {  	s4 =	sld [smem:$0x3FFD];
	_ =	sdelay $0x3  }
0x97: {  	_ =	strace s4  }
0x98: {  	_ =	strace $0x8FFFFFFF  }
0x99: {  	s19 =	sld [smem:$0x3FDB];
	_ =	sdelay $0x1  }
0x9a: {  	s5 =	simm.s32 $_scs_section_size  }
0x9b: {  	s6 =	simm.s32 $_size__tile_overlayer_lowered;
	s7 =	simm.s32 $_tile_overlayer_lowered  }
0x9c: {  	s22 =	simm.s32 $0x1BFF;
	s21 =	sshll.u32 s7, $0x1;
	s4 =	sadd.s32 s5, s19  }
0x9d: {  	s8 =	simm.s32 $0x0;
	s20 =	sshll.u32 s6, $0x1;
	s6 =	sadd.s32 s21, s4  }
0x9e: {  	[timem:s8], [sflag:s22] =	dma.local [hbm:s6], s20  }
0x9f: {  	_ =	swait.ge [sflag:s22], s20  }
0xa0: {  	s5 =	ssub.s32 $0x0, s20;
	[sflag:s22] =	ssyncset.done $0x0  }
0xa1: {  	[sflag:s22] =	ssyncadd.s32 s5;
	_ =	sdelay $0x1  }
0xa2: {  	s23 =	simm.s32 $0x1B8B  }
0xa3: {  	_ =	swait.ge [sflag:s23], $0x1  }
0xa4: {  	[sflag:s23] =	ssyncset.done $0x0  }
0xa5: {  	s25 =	simm.s32 $0x1B8E;
	s24 =	sld [smem:$0x3FFE];
	[sflag:s23] =	ssyncadd.s32 $0xFFFFFFFF  }
0xa6: {  	s26 =	simm.s32 $execute0_lowered;
	[smem:$0x3FD2] =	sst s25  }
0xa7: {  	s6 =	sshll.u32 s26, $0x1;
	_ =	strace $0x80000046;
	[dreg:$0x1] =	wrdreg $0xFFFFFFFF  }
0xa8: {  	s28 =	simm.s32 $_size_execute0_lowered;
	s4 =	sadd.s32 s4, s6;
	[dreg:$0x0] =	wrdreg $0x0  }
0xa9: {  	s6 =	sshll.u32 s28, $0x1;
	[dreg:$0x2] =	wrdreg s4  }
0xaa: {  	[dreg:$0x3] =	wrdreg s6  }
0xab: {  	[dreg:$0x4] =	wrdreg $0xC0  }
0xac: {  	_ =	task [dreg:s8], $0x5FFFF  }
0xad: {  	[dreg:$0x1] =	wrdreg $0xFFFFFFFF  }
0xae: {  	[dreg:$0x0] =	wrdreg $0x60  }
0xaf: {  	[dreg:$0x2] =	wrdreg s2  }
0xb0: {  	[dreg:$0x3] =	wrdreg s18  }
0xb1: {  	[dreg:$0x4] =	wrdreg s24  }
0xb2: {  	[dreg:$0x5] =	wrdreg $0x88000  }
0xb3: {  	[dreg:$0x6] =	wrdreg $0x9  }
0xb4: {  	_ =	task.clear_ibuf [dreg:s8], $0x7FFFF;
	_ =	strace $0x90000046  }
0xb5: {  	s29 =	simm.s32 $0x9;
	_ =	strace $0x80000048  }
0xb6: {  	_ =	swait.ge [sflag:s29], $0x1  }
0xb7: {  	[sflag:s29] =	ssyncadd.s32 $0xFFFFFFFF  }
0xb8: {  	_ =	strace $0x90000048  }
0xb9: {  	_ =	sfence  }
0xba: {  	s30 =	sld [smem:$0x0];
	_ =	sdelay $0x2  }
0xbb: {  	s31 =	sshll.u32 s1, $0xD;
	s1 =	sshrl.u32 s1, $0x2  }
0xbc: {  	s3 =	sand.u32 $0x4000, s31;
	s1 =	sadd.s32 s1, s30  }
0xbd: {  	s0 =	sor.u32 s3, s0;
	s1 =	sshll.u32 s1, $0x11  }
0xbe: {  	s0 =	sor.u32 s1, s0  }
0xbf: {  	s0 =	sadd.s32 $0x8F2B, s0  }
0xc0: {  	[sflag:s0] =	ssyncadd.remote.s32 $0x1  }
0xc1: {  	_ =	sfence.sel $0xFFFF  }
0xc2: {  	[dreg:$0x0] =	wrdreg $0xFFFFFFFF;
	(pc) =	sbr.abs _section_cstart, $3  }
0xc3: {  	[dreg:$0x1] =	wrdreg $0xFFFFFFFF  }
0xc4: {  	_ =	task.clear_ibuf [dreg:s8], $0x2FFFF;
	_ =	strace $0x9FFFFFFF  }
0xc5: {  	(tm) =	ssettm $0x7FFFFFFF  }
tec
execute0_lowered:
.L_overlay_start_1:
0x0: {  	(tag) =	ssettag $0x1  }
0x1: {  	s1 =	rddreg [dreg:$0x0]  }
0x2: {  	s0 =	rddreg [dreg:$0x1]  }
0x3: {  	s3 =	rddreg [dreg:$0x2]  }
0x4: {  	s2 =	rddreg [dreg:$0x3]  }
0x5: {  	s4 =	srdreg.scid;
	s14 =	stileid.u32;
	s15 =	simm.s32 $0x80  }
0x6: {  	s16 =	simm.s32 $0x800;
	s18 =	simm.s32 $0x4800;
	s20 =	simm.s32 $0x1  }
0x7: {  	s21 =	simm.s32 $0x2;
	s22 =	simm.s32 $0x5;
	s8 =	smul.u32 $0x14000, s14  }
0x8: {  	s23 =	simm.s32 $0x3;
	s17 =	simm.s32 $0x680;
	s24 =	smul.u32 $0x5000, s14  }
0x9: {  	s19 =	simm.s32 $0x780;
	s6 =	sand.u32 $0x1, s4;
	s10 =	smul.u32 $0x50000, s14  }
0xa: {  	s4 =	simm.s32 $0x0;
	s5 =	sadd.s32 $0x400, s3;
	s7 =	smul.u32 $0x140000, s6  }
0xb: {  	[smem:$0x7FF] =	sst s4;
	s9 =	smul.u32 $0x50000, s6;
	s6 =	ssub.s32 $0x2, s6  }
0xc: {  	_ =	strace $0x80000047;
	s25 =	sshrl.u32 s6, $0x1;
	s26 =	sshrl.u32 s10, $0x2  }
0xd: {  	s7 =	sadd.s32 s8, s7;
	s11 =	sadd.s32 s24, s9;
	s12 =	ssub.s32 s6, s25  }
0xe: {  	s13 =	sadd.s32 s26, s2;
	s6 =	sshll.u32 s14, $0x6;
	s14 =	simm.s32 $0x4  }
0xf: {  	s24 =	simm.s32 $0x0;
	s7 =	sshrl.u32 s7, $0x3;
	s29 =	sshrl.u32 s11, $0x3  }
0x10: {  	s8 =	sor.u32 $0x1C01, s6;
	s30 =	sor.u32 $0x800, s11;
	s11 =	smax.u32 s12, $0x1  }
0x11: {  	s13 =	sshrl.u32 s13, $0x3;
	s3 =	sadd.s32 s7, s3;
	s7 =	sadd.s32 s0, s29  }
0x12: {  	s31 =	sshrl.u32 s30, $0x3;
	s9 =	sadd.s32 $0x80, s7;
	s10 =	sadd.s32 $0x2C00, s3  }
0x13: {  	s28 =	sadd.s32 s31, s0;
	s0 =	simm.s32 $0x580;
	s3 =	simm.s32 $0x700  }
.LBB2_1:
0x14: {  	[spmem:s13], [sflag:s8] =	dma.local [hbm:s5], $0x2800  }
0x15: {  	[tilespmem:s4], [sflag:$0x4] =	stream.linear.gather [hbm4b:s7+s4], $0x400, $0x38;
	[tilespmem:$0x1C800] =	vst v63  }
0x16: {  	_ =	swait.ge [sflag:s14], $0x400  }
0x17: {  	[sflag:s14] =	ssyncset.done $0x0  }
0x18: {  	[sflag:s14] =	ssyncadd.s32 $0xFFFFFC00  }
0x19: {  	[tilespmem:s16], [sflag:$0x2] =	stream.indirect.gather [hbm4b:s1+s15], $0x80, s4, s15, $0xb8;
	[tilespmem:$0x1C800] =	vst v63  }
0x1a: {  	s12 =	simm.s32 $0x100  }
0x1b: {  	[tilespmem:s18], [sflag:$0x3] =	stream.indirect.gather [hbm4b:s1+s15], $0x80, s12, s15, $0xb8;
	[tilespmem:$0x1C800] =	vst v63  }
0x1c: {  	s30 =	simm.s32 $0x400  }
0x1d: {  	[tilespmem:s30], [sflag:$0x4] =	stream.linear.gather [hbm4b:s9+s4], $0x400, $0x38;
	[tilespmem:$0x1C800] =	vst v63  }
0x1e: {  	_ =	swait.ge [sflag:s14], $0x400  }
0x1f: {  	[sflag:s14] =	ssyncset.done $0x0  }
0x20: {  	[sflag:s14] =	ssyncadd.s32 $0xFFFFFC00  }
0x21: {  	_ =	swait.ge [sflag:s20], $0x2800  }
0x22: {  	[sflag:s20] =	ssyncset.done $0x0  }
0x23: {  	[sflag:s20] =	ssyncadd.s32 $0xFFFFD800  }
0x24: {  	[bflag:$0x0] =	sbarrier.arrive $0xFFFF  }
0x25: {  	_ =	swait.ge [sflag:s21], $0x4000  }
0x26: {  	s12 =	sand.u32 $0x400, s4;
	[sflag:s21] =	ssyncset.done $0x0  }
0x27: {  	s25 =	sor.u32 $0x80, s12;
	[sflag:s21] =	ssyncadd.s32 $0xFFFFC000  }
0x28: {  	[spmem:s2] =	stream.indirect.scatter.add.f32 [tilespmem:s16], [sflag:$0x5], $0x80, s25, s15, $0xb8;
	[tilespmem:$0x1C800] =	vst v63  }
0x29: {  	_ =	swait.ge [sflag:s22], $0x4000  }
0x2a: {  	[sflag:s22] =	ssyncset.done $0x0  }
0x2b: {  	s31 =	sor.u32 $0x200, s12;
	[sflag:s22] =	ssyncadd.s32 $0xFFFFC000  }
0x2c: {  	[tilespmem:s16], [sflag:$0x2] =	stream.indirect.gather [hbm4b:s1+s15], $0x80, s31, s15, $0xb8;
	[tilespmem:$0x1C800] =	vst v63  }
0x2d: {  	_ =	swait.ge [sflag:s23], $0x4000  }
0x2e: {  	[sflag:s23] =	ssyncset.done $0x0  }
0x2f: {  	s26 =	sor.u32 $0x180, s12;
	[sflag:s23] =	ssyncadd.s32 $0xFFFFC000  }
0x30: {  	[spmem:s2] =	stream.indirect.scatter.add.f32 [tilespmem:s18], [sflag:$0x5], $0x80, s26, s15, $0xb8;
	[tilespmem:$0x1C800] =	vst v63  }
0x31: {  	_ =	swait.ge [sflag:s22], $0x4000  }
0x32: {  	[sflag:s22] =	ssyncset.done $0x0  }
0x33: {  	s29 =	sor.u32 $0x300, s12;
	[sflag:s22] =	ssyncadd.s32 $0xFFFFC000  }
0x34: {  	[tilespmem:s18], [sflag:$0x3] =	stream.indirect.gather [hbm4b:s1+s15], $0x80, s29, s15, $0xb8;
	[tilespmem:$0x1C800] =	vst v63  }
0x35: {  	_ =	swait.ge [sflag:s21], $0x4000  }
0x36: {  	[sflag:s21] =	ssyncset.done $0x0  }
0x37: {  	s30 =	sor.u32 $0x280, s12;
	[sflag:s21] =	ssyncadd.s32 $0xFFFFC000  }
0x38: {  	[spmem:s2] =	stream.indirect.scatter.add.f32 [tilespmem:s16], [sflag:$0x5], $0x80, s30, s15, $0xb8;
	[tilespmem:$0x1C800] =	vst v63  }
0x39: {  	s31 =	simm.s32 $0x1000;
	_ =	swait.ge [sflag:s22], $0x4000  }
0x3a: {  	s25 =	sand.u32 $0x1000, s31;
	[sflag:s22] =	ssyncset.done $0x0  }
0x3b: {  	s25 =	sshrl.u32 s25, $0x2;
	[sflag:s22] =	ssyncadd.s32 $0xFFFFC000  }
0x3c: {  	[tilespmem:s16], [sflag:$0x2] =	stream.indirect.gather [hbm4b:s1+s15], $0x80, s25, s15, $0xb8;
	[tilespmem:$0x1C800] =	vst v63  }
0x3d: {  	_ =	swait.ge [sflag:s23], $0x4000  }
0x3e: {  	[sflag:s23] =	ssyncset.done $0x0  }
0x3f: {  	s26 =	sor.u32 $0x380, s12;
	[sflag:s23] =	ssyncadd.s32 $0xFFFFC000  }
0x40: {  	[spmem:s2] =	stream.indirect.scatter.add.f32 [tilespmem:s18], [sflag:$0x5], $0x80, s26, s15, $0xb8;
	[tilespmem:$0x1C800] =	vst v63  }
0x41: {  	_ =	swait.ge [sflag:s22], $0x4000  }
0x42: {  	[sflag:s22] =	ssyncset.done $0x0  }
0x43: {  	s25 =	sor.u32 $0x100, s25;
	[sflag:s22] =	ssyncadd.s32 $0xFFFFC000  }
0x44: {  	[tilespmem:s18], [sflag:$0x3] =	stream.indirect.gather [hbm4b:s1+s15], $0x80, s25, s15, $0xb8;
	[tilespmem:$0x1C800] =	vst v63  }
0x45: {  	_ = 	snop  }
0x46: {  	[tilespmem:s12], [sflag:$0x4] =	stream.linear.gather [hbm4b:s28+s4], $0x400, $0x38;
	[tilespmem:$0x1C800] =	vst v63  }
0x47: {  	s26 =	simm.s32 $0x400;
	_ =	swait.ge [sflag:s14], $0x400  }
0x48: {  	s25 =	simm.s32 $0x0;
	s12 =	smov.u32 s28;
	[sflag:s14] =	ssyncset.done $0x0  }
.LBB2_2:
0x49: {  	[sflag:s14] =	ssyncadd.s32 $0xFFFFFC00  }
0x4a: {  	s12 =	sadd.s32 $0x80, s12;
	s30 =	smov.u32 s25;
	s25 =	sadd.s32 $0x1000, s25  }
0x4b: {  	p0 =	sne.s32 s25, $0x11000  }
0x4c: {  	_ =	swait.ge [sflag:s21], $0x4000  }
0x4d: {  	s29 =	sand.u32 $0x400, s26;
	[sflag:s21] =	ssyncset.done $0x0  }
0x4e: {  	s31 =	sor.u32 $0x80, s29;
	[sflag:s21] =	ssyncadd.s32 $0xFFFFC000  }
0x4f: {  	[spmem:s2] =	stream.indirect.scatter.add.f32 [tilespmem:s16], [sflag:$0x5], $0x80, s31, s15, $0xb8;
	[tilespmem:$0x1C800] =	vst v63  }
0x50: {  	_ =	swait.ge [sflag:s22], $0x4000  }
0x51: {  	[sflag:s22] =	ssyncset.done $0x0  }
0x52: {  	s31 =	sor.u32 $0x200, s29;
	[sflag:s22] =	ssyncadd.s32 $0xFFFFC000  }
0x53: {  	[tilespmem:s16], [sflag:$0x2] =	stream.indirect.gather [hbm4b:s1+s15], $0x80, s31, s15, $0xb8;
	[tilespmem:$0x1C800] =	vst v63  }
0x54: {  	_ =	swait.ge [sflag:s23], $0x4000  }
0x55: {  	[sflag:s23] =	ssyncset.done $0x0  }
0x56: {  	s31 =	sor.u32 $0x180, s29;
	[sflag:s23] =	ssyncadd.s32 $0xFFFFC000  }
0x57: {  	[spmem:s2] =	stream.indirect.scatter.add.f32 [tilespmem:s18], [sflag:$0x5], $0x80, s31, s15, $0xb8;
	[tilespmem:$0x1C800] =	vst v63  }
0x58: {  	_ =	swait.ge [sflag:s22], $0x4000  }
0x59: {  	[sflag:s22] =	ssyncset.done $0x0  }
0x5a: {  	s31 =	sor.u32 $0x300, s29;
	[sflag:s22] =	ssyncadd.s32 $0xFFFFC000  }
0x5b: {  	[tilespmem:s18], [sflag:$0x3] =	stream.indirect.gather [hbm4b:s1+s15], $0x80, s31, s15, $0xb8;
	[tilespmem:$0x1C800] =	vst v63  }
0x5c: {  	_ =	swait.ge [sflag:s21], $0x4000  }
0x5d: {  	[sflag:s21] =	ssyncset.done $0x0  }
0x5e: {  	s31 =	sor.u32 $0x280, s29;
	[sflag:s21] =	ssyncadd.s32 $0xFFFFC000  }
0x5f: {  	[spmem:s2] =	stream.indirect.scatter.add.f32 [tilespmem:s16], [sflag:$0x5], $0x80, s31, s15, $0xb8;
	[tilespmem:$0x1C800] =	vst v63  }
0x60: {  	s30 =	sadd.s32 $0x2000, s30;
	_ =	swait.ge [sflag:s22], $0x4000  }
0x61: {  	s30 =	sand.u32 $0x1000, s30;
	[sflag:s22] =	ssyncset.done $0x0  }
0x62: {  	s30 =	sshrl.u32 s30, $0x2;
	[sflag:s22] =	ssyncadd.s32 $0xFFFFC000  }
0x63: {  	[tilespmem:s16], [sflag:$0x2] =	stream.indirect.gather [hbm4b:s1+s15], $0x80, s30, s15, $0xb8;
	[tilespmem:$0x1C800] =	vst v63  }
0x64: {  	_ =	swait.ge [sflag:s23], $0x4000  }
0x65: {  	[sflag:s23] =	ssyncset.done $0x0  }
0x66: {  	s31 =	sor.u32 $0x380, s29;
	[sflag:s23] =	ssyncadd.s32 $0xFFFFC000  }
0x67: {  	[spmem:s2] =	stream.indirect.scatter.add.f32 [tilespmem:s18], [sflag:$0x5], $0x80, s31, s15, $0xb8;
	[tilespmem:$0x1C800] =	vst v63  }
0x68: {  	_ =	swait.ge [sflag:s22], $0x4000  }
0x69: {  	[sflag:s22] =	ssyncset.done $0x0  }
0x6a: {  	s30 =	sor.u32 $0x100, s30;
	[sflag:s22] =	ssyncadd.s32 $0xFFFFC000  }
0x6b: {  	[tilespmem:s18], [sflag:$0x3] =	stream.indirect.gather [hbm4b:s1+s15], $0x80, s30, s15, $0xb8;
	[tilespmem:$0x1C800] =	vst v63  }
.Ltmp0:
0x6c: {  	_ = 	snop;
	(pc) =	sbr.rel @p0 .LBB2_2-.Ltmp0, $4  }
0x6d: {  	_ = 	snop  }
0x6e: {  	[tilespmem:s29], [sflag:$0x4] =	stream.linear.gather [hbm4b:s12+s4], $0x400, $0x38;
	[tilespmem:$0x1C800] =	vst v63  }
0x6f: {  	_ =	swait.ge [sflag:s14], $0x400  }
0x70: {  	s26 =	sadd.s32 $0x400, s26;
	[sflag:s14] =	ssyncset.done $0x0  }
0x71: {  	[sflag:s14] =	ssyncadd.s32 $0xFFFFFC00  }
0x72: {  	_ =	swait.ge [sflag:s21], $0x4000  }
0x73: {  	[sflag:s21] =	ssyncset.done $0x0  }
0x74: {  	[sflag:s21] =	ssyncadd.s32 $0xFFFFC000  }
0x75: {  	[spmem:s2] =	stream.indirect.scatter.add.f32 [tilespmem:s16], [sflag:$0x5], $0x80, s15, s15, $0xb8;
	[tilespmem:$0x1C800] =	vst v63  }
0x76: {  	_ =	swait.ge [sflag:s22], $0x4000  }
0x77: {  	[sflag:s22] =	ssyncset.done $0x0  }
0x78: {  	s12 =	simm.s32 $0x200;
	[sflag:s22] =	ssyncadd.s32 $0xFFFFC000  }
0x79: {  	[tilespmem:s16], [sflag:$0x2] =	stream.indirect.gather [hbm4b:s1+s15], $0x80, s12, s15, $0xb8;
	[tilespmem:$0x1C800] =	vst v63  }
0x7a: {  	_ =	swait.ge [sflag:s23], $0x4000  }
0x7b: {  	[sflag:s23] =	ssyncset.done $0x0  }
0x7c: {  	s29 =	simm.s32 $0x180;
	[sflag:s23] =	ssyncadd.s32 $0xFFFFC000  }
0x7d: {  	[spmem:s2] =	stream.indirect.scatter.add.f32 [tilespmem:s18], [sflag:$0x5], $0x80, s29, s15, $0xb8;
	[tilespmem:$0x1C800] =	vst v63  }
0x7e: {  	_ =	swait.ge [sflag:s22], $0x4000  }
0x7f: {  	[sflag:s22] =	ssyncset.done $0x0  }
0x80: {  	s30 =	simm.s32 $0x300;
	[sflag:s22] =	ssyncadd.s32 $0xFFFFC000  }
0x81: {  	[tilespmem:s18], [sflag:$0x3] =	stream.indirect.gather [hbm4b:s1+s15], $0x80, s30, s15, $0xb8;
	[tilespmem:$0x1C800] =	vst v63  }
0x82: {  	_ =	swait.ge [sflag:s21], $0x4000  }
0x83: {  	[sflag:s21] =	ssyncset.done $0x0  }
0x84: {  	s31 =	simm.s32 $0x280;
	[sflag:s21] =	ssyncadd.s32 $0xFFFFC000  }
0x85: {  	[spmem:s2] =	stream.indirect.scatter.add.f32 [tilespmem:s16], [sflag:$0x5], $0x80, s31, s15, $0xb8;
	[tilespmem:$0x1C800] =	vst v63  }
0x86: {  	_ =	swait.ge [sflag:s22], $0x4000  }
0x87: {  	s25 =	sshrl.u32 s25, $0x2;
	[sflag:s22] =	ssyncset.done $0x0  }
0x88: {  	s12 =	sand.u32 $0x400, s25;
	[sflag:s22] =	ssyncadd.s32 $0xFFFFC000  }
0x89: {  	[tilespmem:s16], [sflag:$0x2] =	stream.indirect.gather [hbm4b:s1+s15], $0x80, s12, s15, $0xb8;
	[tilespmem:$0x1C800] =	vst v63  }
0x8a: {  	_ =	swait.ge [sflag:s23], $0x4000  }
0x8b: {  	[sflag:s23] =	ssyncset.done $0x0  }
0x8c: {  	s26 =	simm.s32 $0x380;
	[sflag:s23] =	ssyncadd.s32 $0xFFFFC000  }
0x8d: {  	[spmem:s2] =	stream.indirect.scatter.add.f32 [tilespmem:s18], [sflag:$0x5], $0x80, s26, s15, $0xb8;
	[tilespmem:$0x1C800] =	vst v63  }
0x8e: {  	_ =	swait.ge [sflag:s22], $0x4000  }
0x8f: {  	[sflag:s22] =	ssyncset.done $0x0  }
0x90: {  	s12 =	sor.u32 $0x100, s12;
	[sflag:s22] =	ssyncadd.s32 $0xFFFFC000  }
0x91: {  	[tilespmem:s18], [sflag:$0x3] =	stream.indirect.gather [hbm4b:s1+s15], $0x80, s12, s15, $0xb8;
	[tilespmem:$0x1C800] =	vst v63  }
0x92: {  	_ =	swait.ge [sflag:s21], $0x4000  }
0x93: {  	[sflag:s21] =	ssyncset.done $0x0  }
0x94: {  	s29 =	simm.s32 $0x480;
	[sflag:s21] =	ssyncadd.s32 $0xFFFFC000  }
0x95: {  	[spmem:s2] =	stream.indirect.scatter.add.f32 [tilespmem:s16], [sflag:$0x5], $0x80, s29, s15, $0xb8;
	[tilespmem:$0x1C800] =	vst v63  }
0x96: {  	_ =	swait.ge [sflag:s22], $0x4000  }
0x97: {  	[sflag:s22] =	ssyncset.done $0x0  }
0x98: {  	s30 =	simm.s32 $0x600;
	[sflag:s22] =	ssyncadd.s32 $0xFFFFC000  }
0x99: {  	[tilespmem:s16], [sflag:$0x2] =	stream.indirect.gather [hbm4b:s1+s15], $0x80, s30, s15, $0xb8;
	[tilespmem:$0x1C800] =	vst v63  }
0x9a: {  	_ =	swait.ge [sflag:s23], $0x4000  }
0x9b: {  	[sflag:s23] =	ssyncset.done $0x0  }
0x9c: {  	[sflag:s23] =	ssyncadd.s32 $0xFFFFC000  }
0x9d: {  	[spmem:s2] =	stream.indirect.scatter.add.f32 [tilespmem:s18], [sflag:$0x5], $0x80, s0, s15, $0xb8;
	[tilespmem:$0x1C800] =	vst v63  }
0x9e: {  	_ =	swait.ge [sflag:s22], $0x4000  }
0x9f: {  	[sflag:s22] =	ssyncset.done $0x0  }
0xa0: {  	[sflag:s22] =	ssyncadd.s32 $0xFFFFC000  }
0xa1: {  	[tilespmem:s18], [sflag:$0x3] =	stream.indirect.gather [hbm4b:s1+s15], $0x80, s3, s15, $0xb8;
	[tilespmem:$0x1C800] =	vst v63  }
0xa2: {  	_ =	swait.ge [sflag:s21], $0x4000  }
0xa3: {  	[sflag:s21] =	ssyncset.done $0x0  }
0xa4: {  	[sflag:s21] =	ssyncadd.s32 $0xFFFFC000  }
0xa5: {  	[spmem:s2] =	stream.indirect.scatter.add.f32 [tilespmem:s16], [sflag:$0x5], $0x80, s17, s15, $0xb8;
	[tilespmem:$0x1C800] =	vst v63  }
0xa6: {  	_ =	swait.ge [sflag:s22], $0x4000  }
0xa7: {  	[sflag:s22] =	ssyncset.done $0x0  }
0xa8: {  	[sflag:s22] =	ssyncadd.s32 $0xFFFFC000  }
0xa9: {  	_ =	swait.ge [sflag:s23], $0x4000  }
0xaa: {  	[sflag:s23] =	ssyncset.done $0x0  }
0xab: {  	[sflag:s23] =	ssyncadd.s32 $0xFFFFC000  }
0xac: {  	[spmem:s2] =	stream.indirect.scatter.add.f32 [tilespmem:s18], [sflag:$0x5], $0x80, s19, s15, $0xb8;
	[tilespmem:$0x1C800] =	vst v63  }
0xad: {  	_ =	swait.ge [sflag:s22], $0x4000  }
0xae: {  	s24 =	sadd.s32 $0x1, s24;
	[sflag:s22] =	ssyncset.done $0x0  }
0xaf: {  	p0 =	sne.s32 s24, s11;
	[sflag:s22] =	ssyncadd.s32 $0xFFFFC000  }
.Ltmp1:
0xb0: {  	s31 =	sor.u32 $0x1C04, s6;
	[bflag:$0x0] =	sbarrier.arrive $0xFFFF;
	(pc) =	sbr.rel @p0 .LBB2_1-.Ltmp1, $4  }
0xb1: {  	[hbm:s10], [sflag:s31] =	dma.local [spmem:s13], $0x2800  }
0xb2: {  	_ =	swait.ge [sflag:s14], $0x2800  }
0xb3: {  	[sflag:s14] =	ssyncset.done $0x0  }
0xb4: {  	[sflag:s14] =	ssyncadd.s32 $0xFFFFD800  }
0xb5: {  	_ =	sfence.sel $0x180000  }
0xb6: {  	[bflag:$0x0] =	sbarrier.arrive $0xFFFF  }
0xb7: {  	_ =	strace $0x90000047  }
0xb8: {  	s0 =	stileid.u32;
	[bflag:$0x2] =	sbarrier.arrive $0xFFFF  }
0xb9: {  	p0 =	sne.s32 s0, $0x0;
	s0 =	rddreg [dreg:$0x4]  }
0xba: {  	s0 =	sadd.s32 @!p0 $0x100000, s0  }
0xbb: {  	[sflag:s0] =	ssyncadd.tile.s32 @!p0 $0x1;
	_ =	shalt  }
.Lfunc_end2:
_tile_overlayer_lowered:
.L_overlay_start_2:
0xbc: {  	(tag) =	ssettag $0x2  }
0xbd: {  	s0 =	rddreg [dreg:$0x0];
	s2 =	stileid.u32  }
0xbe: {  	s1 =	rddreg [dreg:$0x1];
	p0 =	sne.s32 s2, $0x0  }
0xbf: {  	s3 =	rddreg [dreg:$0x2];
	[bflag:$0x3] =	sbarrier.arrive $0xFFFF;
	s2 =	simm.s32 @!p0 $0x1C04  }
0xc0: {  	[timem:s3], [sflag:s2] =	dma.local @!p0 [hbm:s0], s1  }
0xc1: {  	s0 =	simm.s32 @!p0 $0x4  }
0xc2: {  	_ =	swait.ge @!p0 [sflag:s0], s1  }
0xc3: {  	s1 =	ssub.s32 @!p0 $0x0, s1;
	[sflag:s0] =	ssyncset.done @!p0 $0x0  }
0xc4: {  	[sflag:s0] =	ssyncadd.s32 @!p0 s1  }
0xc5: {  	[bflag:$0x3] =	sbarrier.arrive $0xFFFF  }
0xc6: {  	_ =	shalt  }

</sc_bundles>
